<compile_context>
chip_gen: v7x
topology: tpu7x:2x2x1
jax: 0.10.2.dev20260603
libtpu: 0.0.44.dev20260713+nightly
codegen_flags: <defaults>
</compile_context>

<pallas_src>
import functools

import jax
import jax.numpy as jnp
from jax import lax
from jax.experimental import pallas as pl
from jax.experimental.pallas import tpu as pltpu
from jax.experimental.pallas import tpu_sc as plsc

F32 = jnp.float32

NCORE = 2
NSUB = 16
NW = NCORE * NSUB

CHUNK = 100


def _deg_partial(dst_rs, ones_flat, zflat, npad):
    ngroup, gchunk = dst_rs.shape[1], dst_rs.shape[2]
    rpt = npad // NSUB
    mesh = plsc.VectorSubcoreMesh(core_axis_name="c", subcore_axis_name="s")

    @functools.partial(
        pl.kernel,
        out_type=jax.ShapeDtypeStruct((NCORE * npad,), F32),
        mesh=mesh,
        scratch_types=[
            pltpu.VMEM((ngroup, gchunk, CHUNK), jnp.int32),
            pltpu.VMEM((CHUNK,), F32),
            pltpu.VMEM_SHARED((npad,), F32),
        ],
    )
    def k(dst_hbm, ones_hbm, z_hbm, out_hbm, idx_v, ones_v, degsh):
        cid = lax.axis_index("c")
        sid = lax.axis_index("s")
        wid = cid * NSUB + sid

        pltpu.sync_copy(dst_hbm.at[wid], idx_v)
        pltpu.sync_copy(ones_hbm, ones_v)
        pltpu.sync_copy(z_hbm, degsh.at[pl.ds(sid * rpt, rpt)])
        plsc.subcore_barrier()

        def group(g, carry):
            def body(j, c2):
                pltpu.sync_copy(ones_v, degsh.at[idx_v.at[g, j]], add=True)
                return c2
            lax.fori_loop(0, gchunk, body, 0)
            return carry

        lax.fori_loop(0, ngroup, group, 0)

        plsc.subcore_barrier()
        pltpu.sync_copy(degsh.at[pl.ds(sid * rpt, rpt)],
                        out_hbm.at[pl.ds(cid * npad + sid * rpt, rpt)])

    return k(dst_rs, ones_flat, zflat).reshape(NCORE, npad)


def _matmul_scale(x, W, dp):
    n, d_in = x.shape
    d_out = W.shape[1]
    npad = dp.shape[1]
    bn = 512
    grid = (n // bn,)

    def body(x_ref, w_ref, dp_ref, hn_ref):
        i = pl.program_id(0)
        h = jnp.dot(x_ref[...], w_ref[...], preferred_element_type=F32)
        dpb = dp_ref[:, pl.ds(i * bn, bn)]
        deg = dpb[0] + dpb[1] + 1.0
        inv = lax.rsqrt(deg)
        hn_ref[...] = h * inv[:, None]

    return pl.pallas_call(
        body,
        grid=grid,
        in_specs=[
            pl.BlockSpec((bn, d_in), lambda i: (i, 0)),
            pl.BlockSpec((d_in, d_out), lambda i: (0, 0)),
            pl.BlockSpec((NCORE, npad), lambda i: (0, 0)),
        ],
        out_specs=pl.BlockSpec((bn, d_out), lambda i: (i, 0)),
        out_shape=jax.ShapeDtypeStruct((n, d_out), F32),
    )(x, W, dp)


def _edge_pass(hn, src_rs, dst_rs, zrows, npad):
    d = hn.shape[1]
    n = npad
    ngroup, gchunk = src_rs.shape[1], src_rs.shape[2]
    rpt = n // NSUB
    mesh = plsc.VectorSubcoreMesh(core_axis_name="c", subcore_axis_name="s")

    nbuf = 3
    @functools.partial(
        pl.kernel,
        out_type=jax.ShapeDtypeStruct((NCORE, n, d), F32),
        mesh=mesh,
        scratch_types=[
            pltpu.VMEM((gchunk, CHUNK), jnp.int32),
            pltpu.VMEM((gchunk, CHUNK), jnp.int32),
            [pltpu.VMEM((CHUNK, d), F32) for _ in range(nbuf)],
            [pltpu.SemaphoreType.DMA for _ in range(nbuf)],
            [pltpu.SemaphoreType.DMA for _ in range(nbuf)],
            pltpu.VMEM_SHARED((n, d), F32),
        ],
    )
    def k(hn_hbm, src_hbm, dst_hbm, z_hbm, out_hbm,
          src_v, dst_v, rows, gsem, ssem, agg):
        cid = lax.axis_index("c")
        sid = lax.axis_index("s")
        wid = cid * NSUB + sid

        pltpu.sync_copy(z_hbm, agg.at[pl.ds(sid * rpt, rpt)])
        plsc.subcore_barrier()

        def start_g(j, b):
            pltpu.async_copy(hn_hbm.at[src_v.at[j]], rows[b], gsem[b])

        def wait_g(j, b):
            pltpu.make_async_copy(
                hn_hbm.at[src_v.at[j]], rows[b], gsem[b]).wait()

        def start_s(j, b):
            pltpu.async_copy(rows[b], agg.at[dst_v.at[j]], ssem[b],
                             add=True)

        def wait_s(j, b):
            pltpu.make_async_copy(
                rows[b], agg.at[dst_v.at[j]], ssem[b]).wait()

        def group(g, carry):
            pltpu.sync_copy(src_hbm.at[wid, g], src_v)
            pltpu.sync_copy(dst_hbm.at[wid, g], dst_v)
            start_g(0, 0)
            start_g(1, 1)
            wait_g(0, 0); start_s(0, 0); start_g(2, 2)

            def body(t, c2):
                for b3 in range(3):
                    j = 1 + 3 * t + b3
                    b = (1 + b3) % 3
                    wait_g(j, b)
                    start_s(j, b)
                    wait_s(j - 1, b3)
                    start_g(j + 2, b3)
                return c2

            lax.fori_loop(0, (gchunk - 5) // 3, body, 0)

            jt = gchunk - 4
            wait_g(jt, 1); start_s(jt, 1); wait_s(jt - 1, 0); start_g(jt + 2, 0)
            wait_g(jt + 1, 2); start_s(jt + 1, 2); wait_s(jt, 1); start_g(jt + 3, 1)
            wait_g(jt + 2, 0); start_s(jt + 2, 0); wait_s(jt + 1, 2)
            wait_g(jt + 3, 1); start_s(jt + 3, 1)
            wait_s(jt + 2, 0)
            wait_s(jt + 3, 1)
            return carry

        lax.fori_loop(0, ngroup, group, 0)

        plsc.subcore_barrier()
        pltpu.sync_copy(agg.at[pl.ds(sid * rpt, rpt)],
                        out_hbm.at[cid, pl.ds(sid * rpt, rpt)])

    return k(hn, src_rs, dst_rs, zrows)


def _final(agg, hn, dp, b2):
    n, d = hn.shape
    npad = agg.shape[1]
    bn = 512
    grid = (n // bn,)

    def body(agg_ref, hn_ref, dp_ref, b_ref, o_ref):
        i = pl.program_id(0)
        dpb = dp_ref[:, pl.ds(i * bn, bn)]
        deg = dpb[0] + dpb[1] + 1.0
        inv = lax.rsqrt(deg)
        a = agg_ref[0] + agg_ref[1] + hn_ref[...]
        o_ref[...] = a * inv[:, None] + b_ref[...]

    return pl.pallas_call(
        body,
        grid=grid,
        in_specs=[
            pl.BlockSpec((NCORE, bn, d), lambda i: (0, i, 0)),
            pl.BlockSpec((bn, d), lambda i: (i, 0)),
            pl.BlockSpec((NCORE, npad), lambda i: (0, 0)),
            pl.BlockSpec((1, d), lambda i: (0, 0)),
        ],
        out_specs=pl.BlockSpec((bn, d), lambda i: (i, 0)),
        out_shape=jax.ShapeDtypeStruct((n, d), F32),
    )(agg, hn, dp, b2)


def kernel(x, edge_index, W, b):
    n, d_in = x.shape
    d_out = W.shape[1]
    e = edge_index.shape[1]
    ept = e // NW
    nchunk = ept // CHUNK

    npad = ((n + 128 * NSUB - 1) // (128 * NSUB)) * (128 * NSUB)

    ngroup = 5
    ei = edge_index.astype(jnp.int32)
    src_rs = ei[0].reshape(NW, ngroup, nchunk // ngroup, CHUNK)
    dst_rs = ei[1].reshape(NW, ngroup, nchunk // ngroup, CHUNK)
    zrows = jnp.zeros((npad // NSUB, d_out), F32)
    ones_flat = jnp.ones((CHUNK,), F32)
    zflat = jnp.zeros((npad // NSUB,), F32)
    b2 = b.reshape(1, d_out)

    xp = jnp.pad(x, ((0, npad - n), (0, 0)))
    dp = _deg_partial(dst_rs, ones_flat, zflat, npad)
    hn = _matmul_scale(xp, W, dp)
    agg = _edge_pass(hn, src_rs, dst_rs, zrows, npad)
    out = _final(agg, hn, dp, b2)
    return out[:n]

# --- scband reference (transcript-rebuilt; emitter-appended) ---
"""Pipeline reference for scband-layer-11888469475389 (READ-ONLY COPY).

The authoritative reference and input builder live on the scoring server;
editing this copy changes nothing except your own understanding.
"""

import jax, jax.numpy as jnp
import numpy as np

N = 10000
E = 320000
D_IN = 128
D_OUT = 128


def setup_inputs(seed: int = 0) -> dict:
    key = jax.random.key(seed)
    k1, k2, k3 = jax.random.split(key, 3)
    x = jax.random.normal(k1, (N, D_IN), dtype=jnp.float32)
    edge_index = jax.random.randint(k2, (2, E), 0, N).astype(jnp.int64)
    W = jax.random.normal(k3, (D_IN, D_OUT), dtype=jnp.float32) / np.sqrt(D_IN)
    b = jnp.zeros((D_OUT,), dtype=jnp.float32)
    return {"x": x, "edge_index": edge_index, "W": W, "b": b}


def reference(x, edge_index, W, b):
    # Layer.forward with conv realized as a GCNConv (symmetric-normalized
    # message passing with self-loops), strategy inert (None/eval mode).
    src = edge_index[0]
    dst = edge_index[1]
    h = x @ W  # linear transform first (dense part)
    # in-degree with self-loop
    deg = jnp.zeros((N,), dtype=x.dtype).at[dst].add(1.0) + 1.0
    inv_sqrt = jax.lax.rsqrt(deg)
    # gather source features, scale by src norm (SparseCore gather)
    msg = h[src] * inv_sqrt[src][:, None]
    # scatter-add into destination nodes (SparseCore scatter-add)
    agg = jnp.zeros_like(h).at[dst].add(msg)
    # apply dst norm; self-loop contributes h * inv_sqrt^2
    out = agg * inv_sqrt[:, None] + h * (inv_sqrt * inv_sqrt)[:, None] + b
    return out

if __name__ == "__main__":
    import jax
    _d = setup_inputs()
    print(jax.jit(kernel)(*tuple(_d.values())))

</pallas_src>

<mosaic_0001>
#map = affine_map<(d0, d1) -> (0, 0)>
#map1 = affine_map<(d0, d1) -> (0, 0, 0, 0)>
#map2 = affine_map<(d0, d1) -> (0, 0, 0)>
module attributes {stable_mosaic.version = 14 : i64} {
  func.func @k(%arg0: i32, %arg1: i32, %arg2: memref<10240x128xf32, #tpu.memory_space<hbm>>, %arg3: memref<32x5x20x100xi32, #tpu.memory_space<hbm>>, %arg4: memref<32x5x20x100xi32, #tpu.memory_space<hbm>>, %arg5: memref<640x128xf32, #tpu.memory_space<hbm>>, %arg6: memref<2x10240x128xf32, #tpu.memory_space<hbm>>, %arg7: memref<20x100xi32, #tpu.memory_space<vmem>>, %arg8: memref<20x100xi32, #tpu.memory_space<vmem>>, %arg9: memref<100x128xf32, #tpu.memory_space<vmem>>, %arg10: memref<100x128xf32, #tpu.memory_space<vmem>>, %arg11: memref<100x128xf32, #tpu.memory_space<vmem>>, %arg12: memref<!tpu.dma_semaphore, #tpu.memory_space<semaphore_mem>>, %arg13: memref<!tpu.dma_semaphore, #tpu.memory_space<semaphore_mem>>, %arg14: memref<!tpu.dma_semaphore, #tpu.memory_space<semaphore_mem>>, %arg15: memref<!tpu.dma_semaphore, #tpu.memory_space<semaphore_mem>>, %arg16: memref<!tpu.dma_semaphore, #tpu.memory_space<semaphore_mem>>, %arg17: memref<!tpu.dma_semaphore, #tpu.memory_space<semaphore_mem>>, %arg18: memref<10240x128xf32, #tpu.memory_space<vmem_shared>>) attributes {dimension_semantics = [#tpu.dimension_semantics<core_parallel>, #tpu.dimension_semantics<subcore_parallel>], iteration_bounds = array<i64: 2, 16>, scalar_prefetch = 0 : i64, scratch_operands = 12 : i64, tpu.core_type = #tpu.core_type<sc_vector_subcore>, window_params = [{transform_indices = #map}, {transform_indices = #map1}, {transform_indices = #map1}, {transform_indices = #map}, {transform_indices = #map2}]} {
    %mul3A = arith.constant 16 : i32
    %mul3A_0 = arith.muli %arg0, %mul3A : i32
    %add3A = arith.addi %mul3A_0, %arg1 : i32
    %mul3A_1 = arith.constant 640 : i32
    %mul3A_2 = arith.muli %arg1, %mul3A_1 : i32
    "tpu.region"() ({
      %run_scoped3A = tpu.sem_alloc : memref<!tpu.dma_semaphore, #tpu.memory_space<semaphore_mem>>
      %dma_start3A = arith.constant 0 : i32
      %dma_start3A_13 = tpu.memref_slice %arg18[%mul3A_2, %dma_start3A] : memref<10240x128xf32, #tpu.memory_space<vmem_shared>> -> memref<640x128xf32, #tpu.memory_space<vmem_shared>>
      tpu.enqueue_dma source(%arg5 : memref<640x128xf32, #tpu.memory_space<hbm>>) target(%dma_start3A_13 : memref<640x128xf32, #tpu.memory_space<vmem_shared>>) target_semaphore(%run_scoped3A : memref<!tpu.dma_semaphore, #tpu.memory_space<semaphore_mem>>)
      %dma_wait3A = arith.constant 0 : i32
      %dma_wait3A_14 = tpu.memref_slice %arg18[%mul3A_2, %dma_wait3A] : memref<10240x128xf32, #tpu.memory_space<vmem_shared>> -> memref<640x128xf32, #tpu.memory_space<vmem_shared>>
      tpu.wait_dma2 semaphore(%run_scoped3A : memref<!tpu.dma_semaphore, #tpu.memory_space<semaphore_mem>>) src(%arg5 : memref<640x128xf32, #tpu.memory_space<hbm>>) dst(%dma_wait3A_14 : memref<640x128xf32, #tpu.memory_space<vmem_shared>>)
      tpu.yield
    }) : () -> ()
    %barrier3A = arith.constant 0 : index
    tpu.barrier barrier_id(%barrier3A)
    %scan3A = arith.constant 0 : i32
    %scan3A_3 = arith.constant 0 : i32
    %scan3A_4 = arith.constant 5 : i32
    %scan3A_5 = arith.addi %scan3A_3, %scan3A_4 : i32
    %scan3A_6 = arith.constant 1 : i32
    scf.for %scan3A_13 = %scan3A_3 to %scan3A_5 step %scan3A_6  : i32 {
      "tpu.region"() ({
        %run_scoped3A = tpu.sem_alloc : memref<!tpu.dma_semaphore, #tpu.memory_space<semaphore_mem>>
        %dma_start3A_158 = arith.constant 0 : i32
        %dma_start3A_159 = arith.constant 0 : i32
        %dma_start3A_160 = tpu.memref_slice %arg3[%add3A, %scan3A_13, %dma_start3A_158, %dma_start3A_159] : memref<32x5x20x100xi32, #tpu.memory_space<hbm>> -> memref<1x1x20x100xi32, #tpu.memory_space<hbm>>
        %dma_start3A_161 = tpu.memref_squeeze %dma_start3A_160 : memref<1x1x20x100xi32, #tpu.memory_space<hbm>> -> memref<20x100xi32, #tpu.memory_space<hbm>>
        %dma_start3A_162 = arith.constant 0 : i32
        %dma_start3A_163 = arith.constant 0 : i32
        %dma_start3A_164 = tpu.memref_slice %arg3[%add3A, %scan3A_13, %dma_start3A_162, %dma_start3A_163] : memref<32x5x20x100xi32, #tpu.memory_space<hbm>> -> memref<1x1x20x100xi32, #tpu.memory_space<hbm>>
        %dma_start3A_165 = tpu.memref_squeeze %dma_start3A_164 : memref<1x1x20x100xi32, #tpu.memory_space<hbm>> -> memref<20x100xi32, #tpu.memory_space<hbm>>
        tpu.enqueue_dma source(%dma_start3A_165 : memref<20x100xi32, #tpu.memory_space<hbm>>) target(%arg7 : memref<20x100xi32, #tpu.memory_space<vmem>>) target_semaphore(%run_scoped3A : memref<!tpu.dma_semaphore, #tpu.memory_space<semaphore_mem>>)
        %dma_wait3A_166 = arith.constant 0 : i32
        %dma_wait3A_167 = arith.constant 0 : i32
        %dma_wait3A_168 = tpu.memref_slice %arg3[%add3A, %scan3A_13, %dma_wait3A_166, %dma_wait3A_167] : memref<32x5x20x100xi32, #tpu.memory_space<hbm>> -> memref<1x1x20x100xi32, #tpu.memory_space<hbm>>
        %dma_wait3A_169 = tpu.memref_squeeze %dma_wait3A_168 : memref<1x1x20x100xi32, #tpu.memory_space<hbm>> -> memref<20x100xi32, #tpu.memory_space<hbm>>
        %dma_wait3A_170 = arith.constant 0 : i32
        %dma_wait3A_171 = arith.constant 0 : i32
        %dma_wait3A_172 = tpu.memref_slice %arg3[%add3A, %scan3A_13, %dma_wait3A_170, %dma_wait3A_171] : memref<32x5x20x100xi32, #tpu.memory_space<hbm>> -> memref<1x1x20x100xi32, #tpu.memory_space<hbm>>
        %dma_wait3A_173 = tpu.memref_squeeze %dma_wait3A_172 : memref<1x1x20x100xi32, #tpu.memory_space<hbm>> -> memref<20x100xi32, #tpu.memory_space<hbm>>
        tpu.wait_dma2 semaphore(%run_scoped3A : memref<!tpu.dma_semaphore, #tpu.memory_space<semaphore_mem>>) src(%dma_wait3A_173 : memref<20x100xi32, #tpu.memory_space<hbm>>) dst(%arg7 : memref<20x100xi32, #tpu.memory_space<vmem>>)
        tpu.yield
      }) : () -> ()
      "tpu.region"() ({
        %run_scoped3A = tpu.sem_alloc : memref<!tpu.dma_semaphore, #tpu.memory_space<semaphore_mem>>
        %dma_start3A_158 = arith.constant 0 : i32
        %dma_start3A_159 = arith.constant 0 : i32
        %dma_start3A_160 = tpu.memref_slice %arg4[%add3A, %scan3A_13, %dma_start3A_158, %dma_start3A_159] : memref<32x5x20x100xi32, #tpu.memory_space<hbm>> -> memref<1x1x20x100xi32, #tpu.memory_space<hbm>>
        %dma_start3A_161 = tpu.memref_squeeze %dma_start3A_160 : memref<1x1x20x100xi32, #tpu.memory_space<hbm>> -> memref<20x100xi32, #tpu.memory_space<hbm>>
        %dma_start3A_162 = arith.constant 0 : i32
        %dma_start3A_163 = arith.constant 0 : i32
        %dma_start3A_164 = tpu.memref_slice %arg4[%add3A, %scan3A_13, %dma_start3A_162, %dma_start3A_163] : memref<32x5x20x100xi32, #tpu.memory_space<hbm>> -> memref<1x1x20x100xi32, #tpu.memory_space<hbm>>
        %dma_start3A_165 = tpu.memref_squeeze %dma_start3A_164 : memref<1x1x20x100xi32, #tpu.memory_space<hbm>> -> memref<20x100xi32, #tpu.memory_space<hbm>>
        tpu.enqueue_dma source(%dma_start3A_165 : memref<20x100xi32, #tpu.memory_space<hbm>>) target(%arg8 : memref<20x100xi32, #tpu.memory_space<vmem>>) target_semaphore(%run_scoped3A : memref<!tpu.dma_semaphore, #tpu.memory_space<semaphore_mem>>)
        %dma_wait3A_166 = arith.constant 0 : i32
        %dma_wait3A_167 = arith.constant 0 : i32
        %dma_wait3A_168 = tpu.memref_slice %arg4[%add3A, %scan3A_13, %dma_wait3A_166, %dma_wait3A_167] : memref<32x5x20x100xi32, #tpu.memory_space<hbm>> -> memref<1x1x20x100xi32, #tpu.memory_space<hbm>>
        %dma_wait3A_169 = tpu.memref_squeeze %dma_wait3A_168 : memref<1x1x20x100xi32, #tpu.memory_space<hbm>> -> memref<20x100xi32, #tpu.memory_space<hbm>>
        %dma_wait3A_170 = arith.constant 0 : i32
        %dma_wait3A_171 = arith.constant 0 : i32
        %dma_wait3A_172 = tpu.memref_slice %arg4[%add3A, %scan3A_13, %dma_wait3A_170, %dma_wait3A_171] : memref<32x5x20x100xi32, #tpu.memory_space<hbm>> -> memref<1x1x20x100xi32, #tpu.memory_space<hbm>>
        %dma_wait3A_173 = tpu.memref_squeeze %dma_wait3A_172 : memref<1x1x20x100xi32, #tpu.memory_space<hbm>> -> memref<20x100xi32, #tpu.memory_space<hbm>>
        tpu.wait_dma2 semaphore(%run_scoped3A : memref<!tpu.dma_semaphore, #tpu.memory_space<semaphore_mem>>) src(%dma_wait3A_173 : memref<20x100xi32, #tpu.memory_space<hbm>>) dst(%arg8 : memref<20x100xi32, #tpu.memory_space<vmem>>)
        tpu.yield
      }) : () -> ()
      %dma_start3A = arith.constant 0 : i32
      %dma_start3A_14 = arith.constant 0 : i32
      %dma_start3A_15 = tpu.memref_slice %arg7[%dma_start3A, %dma_start3A_14] : memref<20x100xi32, #tpu.memory_space<vmem>> -> memref<1x100xi32, #tpu.memory_space<vmem>>
      %dma_start3A_16 = tpu.memref_squeeze %dma_start3A_15 : memref<1x100xi32, #tpu.memory_space<vmem>> -> memref<100xi32, #tpu.memory_space<vmem>>
      %dma_start3A_17 = arith.constant 0 : i32
      %dma_start3A_18 = arith.constant 0 : i32
      %dma_start3A_19 = tpu.memref_slice %arg2[%dma_start3A_17, %dma_start3A_18] : memref<10240x128xf32, #tpu.memory_space<hbm>> -> memref<10240x128xf32, #tpu.memory_space<hbm>>
      tpu.enqueue_indirect_dma source(%dma_start3A_19 : memref<10240x128xf32, #tpu.memory_space<hbm>>) target(%arg9 : memref<100x128xf32, #tpu.memory_space<vmem>>) offsets(%dma_start3A_16 : memref<100xi32, #tpu.memory_space<vmem>>) semaphore(%arg12 : memref<!tpu.dma_semaphore, #tpu.memory_space<semaphore_mem>>)
      %dma_start3A_20 = arith.constant 1 : i32
      %dma_start3A_21 = arith.constant 0 : i32
      %dma_start3A_22 = tpu.memref_slice %arg7[%dma_start3A_20, %dma_start3A_21] : memref<20x100xi32, #tpu.memory_space<vmem>> -> memref<1x100xi32, #tpu.memory_space<vmem>>
      %dma_start3A_23 = tpu.memref_squeeze %dma_start3A_22 : memref<1x100xi32, #tpu.memory_space<vmem>> -> memref<100xi32, #tpu.memory_space<vmem>>
      %dma_start3A_24 = arith.constant 0 : i32
      %dma_start3A_25 = arith.constant 0 : i32
      %dma_start3A_26 = tpu.memref_slice %arg2[%dma_start3A_24, %dma_start3A_25] : memref<10240x128xf32, #tpu.memory_space<hbm>> -> memref<10240x128xf32, #tpu.memory_space<hbm>>
      tpu.enqueue_indirect_dma source(%dma_start3A_26 : memref<10240x128xf32, #tpu.memory_space<hbm>>) target(%arg10 : memref<100x128xf32, #tpu.memory_space<vmem>>) offsets(%dma_start3A_23 : memref<100xi32, #tpu.memory_space<vmem>>) semaphore(%arg13 : memref<!tpu.dma_semaphore, #tpu.memory_space<semaphore_mem>>)
      %dma_wait3A = arith.constant 0 : i32
      %dma_wait3A_27 = arith.constant 0 : i32
      %dma_wait3A_28 = tpu.memref_slice %arg7[%dma_wait3A, %dma_wait3A_27] : memref<20x100xi32, #tpu.memory_space<vmem>> -> memref<1x100xi32, #tpu.memory_space<vmem>>
      %dma_wait3A_29 = tpu.memref_squeeze %dma_wait3A_28 : memref<1x100xi32, #tpu.memory_space<vmem>> -> memref<100xi32, #tpu.memory_space<vmem>>
      %dma_wait3A_30 = arith.constant 0 : i32
      %dma_wait3A_31 = arith.constant 0 : i32
      %dma_wait3A_32 = tpu.memref_slice %arg2[%dma_wait3A_30, %dma_wait3A_31] : memref<10240x128xf32, #tpu.memory_space<hbm>> -> memref<10240x128xf32, #tpu.memory_space<hbm>>
      tpu.wait_indirect_dma semaphore(%arg12 : memref<!tpu.dma_semaphore, #tpu.memory_space<semaphore_mem>>) src(%dma_wait3A_32 : memref<10240x128xf32, #tpu.memory_space<hbm>>) dst(%arg9 : memref<100x128xf32, #tpu.memory_space<vmem>>)
      %dma_start3A_33 = arith.constant 0 : i32
      %dma_start3A_34 = arith.constant 0 : i32
      %dma_start3A_35 = tpu.memref_slice %arg8[%dma_start3A_33, %dma_start3A_34] : memref<20x100xi32, #tpu.memory_space<vmem>> -> memref<1x100xi32, #tpu.memory_space<vmem>>
      %dma_start3A_36 = tpu.memref_squeeze %dma_start3A_35 : memref<1x100xi32, #tpu.memory_space<vmem>> -> memref<100xi32, #tpu.memory_space<vmem>>
      %dma_start3A_37 = arith.constant 0 : i32
      %dma_start3A_38 = arith.constant 0 : i32
      %dma_start3A_39 = tpu.memref_slice %arg18[%dma_start3A_37, %dma_start3A_38] : memref<10240x128xf32, #tpu.memory_space<vmem_shared>> -> memref<10240x128xf32, #tpu.memory_space<vmem_shared>>
      tpu.enqueue_indirect_dma source(%arg9 : memref<100x128xf32, #tpu.memory_space<vmem>>) target(%dma_start3A_39 : memref<10240x128xf32, #tpu.memory_space<vmem_shared>>) offsets(%dma_start3A_36 : memref<100xi32, #tpu.memory_space<vmem>>) semaphore(%arg15 : memref<!tpu.dma_semaphore, #tpu.memory_space<semaphore_mem>>) {add = true}
      %dma_start3A_40 = arith.constant 2 : i32
      %dma_start3A_41 = arith.constant 0 : i32
      %dma_start3A_42 = tpu.memref_slice %arg7[%dma_start3A_40, %dma_start3A_41] : memref<20x100xi32, #tpu.memory_space<vmem>> -> memref<1x100xi32, #tpu.memory_space<vmem>>
      %dma_start3A_43 = tpu.memref_squeeze %dma_start3A_42 : memref<1x100xi32, #tpu.memory_space<vmem>> -> memref<100xi32, #tpu.memory_space<vmem>>
      %dma_start3A_44 = arith.constant 0 : i32
      %dma_start3A_45 = arith.constant 0 : i32
      %dma_start3A_46 = tpu.memref_slice %arg2[%dma_start3A_44, %dma_start3A_45] : memref<10240x128xf32, #tpu.memory_space<hbm>> -> memref<10240x128xf32, #tpu.memory_space<hbm>>
      tpu.enqueue_indirect_dma source(%dma_start3A_46 : memref<10240x128xf32, #tpu.memory_space<hbm>>) target(%arg11 : memref<100x128xf32, #tpu.memory_space<vmem>>) offsets(%dma_start3A_43 : memref<100xi32, #tpu.memory_space<vmem>>) semaphore(%arg14 : memref<!tpu.dma_semaphore, #tpu.memory_space<semaphore_mem>>)
      %scan3A_47 = arith.constant 0 : i32
      %scan3A_48 = arith.constant 0 : i32
      %scan3A_49 = arith.constant 5 : i32
      %scan3A_50 = arith.addi %scan3A_48, %scan3A_49 : i32
      %scan3A_51 = arith.constant 1 : i32
      scf.for %scan3A_158 = %scan3A_48 to %scan3A_50 step %scan3A_51  : i32 {
        %mul3A_159 = arith.constant 3 : i32
        %mul3A_160 = arith.muli %mul3A_159, %scan3A_158 : i32
        %add3A_161 = arith.constant 1 : i32
        %add3A_162 = arith.addi %add3A_161, %mul3A_160 : i32
        %add3A_163 = arith.constant 0 : i32
        %add3A_164 = arith.addi %add3A_162, %add3A_163 : i32
        %dma_wait3A_165 = arith.constant 0 : i32
        %dma_wait3A_166 = tpu.memref_slice %arg7[%add3A_164, %dma_wait3A_165] : memref<20x100xi32, #tpu.memory_space<vmem>> -> memref<1x100xi32, #tpu.memory_space<vmem>>
        %dma_wait3A_167 = tpu.memref_squeeze %dma_wait3A_166 : memref<1x100xi32, #tpu.memory_space<vmem>> -> memref<100xi32, #tpu.memory_space<vmem>>
        %dma_wait3A_168 = arith.constant 0 : i32
        %dma_wait3A_169 = arith.constant 0 : i32
        %dma_wait3A_170 = tpu.memref_slice %arg2[%dma_wait3A_168, %dma_wait3A_169] : memref<10240x128xf32, #tpu.memory_space<hbm>> -> memref<10240x128xf32, #tpu.memory_space<hbm>>
        tpu.wait_indirect_dma semaphore(%arg13 : memref<!tpu.dma_semaphore, #tpu.memory_space<semaphore_mem>>) src(%dma_wait3A_170 : memref<10240x128xf32, #tpu.memory_space<hbm>>) dst(%arg10 : memref<100x128xf32, #tpu.memory_space<vmem>>)
        %dma_start3A_171 = arith.constant 0 : i32
        %dma_start3A_172 = tpu.memref_slice %arg8[%add3A_164, %dma_start3A_171] : memref<20x100xi32, #tpu.memory_space<vmem>> -> memref<1x100xi32, #tpu.memory_space<vmem>>
        %dma_start3A_173 = tpu.memref_squeeze %dma_start3A_172 : memref<1x100xi32, #tpu.memory_space<vmem>> -> memref<100xi32, #tpu.memory_space<vmem>>
        %dma_start3A_174 = arith.constant 0 : i32
        %dma_start3A_175 = arith.constant 0 : i32
        %dma_start3A_176 = tpu.memref_slice %arg18[%dma_start3A_174, %dma_start3A_175] : memref<10240x128xf32, #tpu.memory_space<vmem_shared>> -> memref<10240x128xf32, #tpu.memory_space<vmem_shared>>
        tpu.enqueue_indirect_dma source(%arg10 : memref<100x128xf32, #tpu.memory_space<vmem>>) target(%dma_start3A_176 : memref<10240x128xf32, #tpu.memory_space<vmem_shared>>) offsets(%dma_start3A_173 : memref<100xi32, #tpu.memory_space<vmem>>) semaphore(%arg16 : memref<!tpu.dma_semaphore, #tpu.memory_space<semaphore_mem>>) {add = true}
        %sub3A = arith.constant 1 : i32
        %sub3A_177 = arith.subi %add3A_164, %sub3A : i32
        %dma_wait3A_178 = arith.constant 0 : i32
        %dma_wait3A_179 = tpu.memref_slice %arg8[%sub3A_177, %dma_wait3A_178] : memref<20x100xi32, #tpu.memory_space<vmem>> -> memref<1x100xi32, #tpu.memory_space<vmem>>
        %dma_wait3A_180 = tpu.memref_squeeze %dma_wait3A_179 : memref<1x100xi32, #tpu.memory_space<vmem>> -> memref<100xi32, #tpu.memory_space<vmem>>
        %dma_wait3A_181 = arith.constant 0 : i32
        %dma_wait3A_182 = arith.constant 0 : i32
        %dma_wait3A_183 = tpu.memref_slice %arg18[%dma_wait3A_181, %dma_wait3A_182] : memref<10240x128xf32, #tpu.memory_space<vmem_shared>> -> memref<10240x128xf32, #tpu.memory_space<vmem_shared>>
        tpu.wait_indirect_dma semaphore(%arg15 : memref<!tpu.dma_semaphore, #tpu.memory_space<semaphore_mem>>) src(%arg9 : memref<100x128xf32, #tpu.memory_space<vmem>>) dst(%dma_wait3A_183 : memref<10240x128xf32, #tpu.memory_space<vmem_shared>>)
        %add3A_184 = arith.constant 2 : i32
        %add3A_185 = arith.addi %add3A_164, %add3A_184 : i32
        %dma_start3A_186 = arith.constant 0 : i32
        %dma_start3A_187 = tpu.memref_slice %arg7[%add3A_185, %dma_start3A_186] : memref<20x100xi32, #tpu.memory_space<vmem>> -> memref<1x100xi32, #tpu.memory_space<vmem>>
        %dma_start3A_188 = tpu.memref_squeeze %dma_start3A_187 : memref<1x100xi32, #tpu.memory_space<vmem>> -> memref<100xi32, #tpu.memory_space<vmem>>
        %dma_start3A_189 = arith.constant 0 : i32
        %dma_start3A_190 = arith.constant 0 : i32
        %dma_start3A_191 = tpu.memref_slice %arg2[%dma_start3A_189, %dma_start3A_190] : memref<10240x128xf32, #tpu.memory_space<hbm>> -> memref<10240x128xf32, #tpu.memory_space<hbm>>
        tpu.enqueue_indirect_dma source(%dma_start3A_191 : memref<10240x128xf32, #tpu.memory_space<hbm>>) target(%arg9 : memref<100x128xf32, #tpu.memory_space<vmem>>) offsets(%dma_start3A_188 : memref<100xi32, #tpu.memory_space<vmem>>) semaphore(%arg12 : memref<!tpu.dma_semaphore, #tpu.memory_space<semaphore_mem>>)
        %mul3A_192 = arith.constant 3 : i32
        %mul3A_193 = arith.muli %mul3A_192, %scan3A_158 : i32
        %add3A_194 = arith.constant 1 : i32
        %add3A_195 = arith.addi %add3A_194, %mul3A_193 : i32
        %add3A_196 = arith.constant 1 : i32
        %add3A_197 = arith.addi %add3A_195, %add3A_196 : i32
        %dma_wait3A_198 = arith.constant 0 : i32
        %dma_wait3A_199 = tpu.memref_slice %arg7[%add3A_197, %dma_wait3A_198] : memref<20x100xi32, #tpu.memory_space<vmem>> -> memref<1x100xi32, #tpu.memory_space<vmem>>
        %dma_wait3A_200 = tpu.memref_squeeze %dma_wait3A_199 : memref<1x100xi32, #tpu.memory_space<vmem>> -> memref<100xi32, #tpu.memory_space<vmem>>
        %dma_wait3A_201 = arith.constant 0 : i32
        %dma_wait3A_202 = arith.constant 0 : i32
        %dma_wait3A_203 = tpu.memref_slice %arg2[%dma_wait3A_201, %dma_wait3A_202] : memref<10240x128xf32, #tpu.memory_space<hbm>> -> memref<10240x128xf32, #tpu.memory_space<hbm>>
        tpu.wait_indirect_dma semaphore(%arg14 : memref<!tpu.dma_semaphore, #tpu.memory_space<semaphore_mem>>) src(%dma_wait3A_203 : memref<10240x128xf32, #tpu.memory_space<hbm>>) dst(%arg11 : memref<100x128xf32, #tpu.memory_space<vmem>>)
        %dma_start3A_204 = arith.constant 0 : i32
        %dma_start3A_205 = tpu.memref_slice %arg8[%add3A_197, %dma_start3A_204] : memref<20x100xi32, #tpu.memory_space<vmem>> -> memref<1x100xi32, #tpu.memory_space<vmem>>
        %dma_start3A_206 = tpu.memref_squeeze %dma_start3A_205 : memref<1x100xi32, #tpu.memory_space<vmem>> -> memref<100xi32, #tpu.memory_space<vmem>>
        %dma_start3A_207 = arith.constant 0 : i32
        %dma_start3A_208 = arith.constant 0 : i32
        %dma_start3A_209 = tpu.memref_slice %arg18[%dma_start3A_207, %dma_start3A_208] : memref<10240x128xf32, #tpu.memory_space<vmem_shared>> -> memref<10240x128xf32, #tpu.memory_space<vmem_shared>>
        tpu.enqueue_indirect_dma source(%arg11 : memref<100x128xf32, #tpu.memory_space<vmem>>) target(%dma_start3A_209 : memref<10240x128xf32, #tpu.memory_space<vmem_shared>>) offsets(%dma_start3A_206 : memref<100xi32, #tpu.memory_space<vmem>>) semaphore(%arg17 : memref<!tpu.dma_semaphore, #tpu.memory_space<semaphore_mem>>) {add = true}
        %sub3A_210 = arith.constant 1 : i32
        %sub3A_211 = arith.subi %add3A_197, %sub3A_210 : i32
        %dma_wait3A_212 = arith.constant 0 : i32
        %dma_wait3A_213 = tpu.memref_slice %arg8[%sub3A_211, %dma_wait3A_212] : memref<20x100xi32, #tpu.memory_space<vmem>> -> memref<1x100xi32, #tpu.memory_space<vmem>>
        %dma_wait3A_214 = tpu.memref_squeeze %dma_wait3A_213 : memref<1x100xi32, #tpu.memory_space<vmem>> -> memref<100xi32, #tpu.memory_space<vmem>>
        %dma_wait3A_215 = arith.constant 0 : i32
        %dma_wait3A_216 = arith.constant 0 : i32
        %dma_wait3A_217 = tpu.memref_slice %arg18[%dma_wait3A_215, %dma_wait3A_216] : memref<10240x128xf32, #tpu.memory_space<vmem_shared>> -> memref<10240x128xf32, #tpu.memory_space<vmem_shared>>
        tpu.wait_indirect_dma semaphore(%arg16 : memref<!tpu.dma_semaphore, #tpu.memory_space<semaphore_mem>>) src(%arg10 : memref<100x128xf32, #tpu.memory_space<vmem>>) dst(%dma_wait3A_217 : memref<10240x128xf32, #tpu.memory_space<vmem_shared>>)
        %add3A_218 = arith.constant 2 : i32
        %add3A_219 = arith.addi %add3A_197, %add3A_218 : i32
        %dma_start3A_220 = arith.constant 0 : i32
        %dma_start3A_221 = tpu.memref_slice %arg7[%add3A_219, %dma_start3A_220] : memref<20x100xi32, #tpu.memory_space<vmem>> -> memref<1x100xi32, #tpu.memory_space<vmem>>
        %dma_start3A_222 = tpu.memref_squeeze %dma_start3A_221 : memref<1x100xi32, #tpu.memory_space<vmem>> -> memref<100xi32, #tpu.memory_space<vmem>>
        %dma_start3A_223 = arith.constant 0 : i32
        %dma_start3A_224 = arith.constant 0 : i32
        %dma_start3A_225 = tpu.memref_slice %arg2[%dma_start3A_223, %dma_start3A_224] : memref<10240x128xf32, #tpu.memory_space<hbm>> -> memref<10240x128xf32, #tpu.memory_space<hbm>>
        tpu.enqueue_indirect_dma source(%dma_start3A_225 : memref<10240x128xf32, #tpu.memory_space<hbm>>) target(%arg10 : memref<100x128xf32, #tpu.memory_space<vmem>>) offsets(%dma_start3A_222 : memref<100xi32, #tpu.memory_space<vmem>>) semaphore(%arg13 : memref<!tpu.dma_semaphore, #tpu.memory_space<semaphore_mem>>)
        %mul3A_226 = arith.constant 3 : i32
        %mul3A_227 = arith.muli %mul3A_226, %scan3A_158 : i32
        %add3A_228 = arith.constant 1 : i32
        %add3A_229 = arith.addi %add3A_228, %mul3A_227 : i32
        %add3A_230 = arith.constant 2 : i32
        %add3A_231 = arith.addi %add3A_229, %add3A_230 : i32
        %dma_wait3A_232 = arith.constant 0 : i32
        %dma_wait3A_233 = tpu.memref_slice %arg7[%add3A_231, %dma_wait3A_232] : memref<20x100xi32, #tpu.memory_space<vmem>> -> memref<1x100xi32, #tpu.memory_space<vmem>>
        %dma_wait3A_234 = tpu.memref_squeeze %dma_wait3A_233 : memref<1x100xi32, #tpu.memory_space<vmem>> -> memref<100xi32, #tpu.memory_space<vmem>>
        %dma_wait3A_235 = arith.constant 0 : i32
        %dma_wait3A_236 = arith.constant 0 : i32
        %dma_wait3A_237 = tpu.memref_slice %arg2[%dma_wait3A_235, %dma_wait3A_236] : memref<10240x128xf32, #tpu.memory_space<hbm>> -> memref<10240x128xf32, #tpu.memory_space<hbm>>
        tpu.wait_indirect_dma semaphore(%arg12 : memref<!tpu.dma_semaphore, #tpu.memory_space<semaphore_mem>>) src(%dma_wait3A_237 : memref<10240x128xf32, #tpu.memory_space<hbm>>) dst(%arg9 : memref<100x128xf32, #tpu.memory_space<vmem>>)
        %dma_start3A_238 = arith.constant 0 : i32
        %dma_start3A_239 = tpu.memref_slice %arg8[%add3A_231, %dma_start3A_238] : memref<20x100xi32, #tpu.memory_space<vmem>> -> memref<1x100xi32, #tpu.memory_space<vmem>>
        %dma_start3A_240 = tpu.memref_squeeze %dma_start3A_239 : memref<1x100xi32, #tpu.memory_space<vmem>> -> memref<100xi32, #tpu.memory_space<vmem>>
        %dma_start3A_241 = arith.constant 0 : i32
        %dma_start3A_242 = arith.constant 0 : i32
        %dma_start3A_243 = tpu.memref_slice %arg18[%dma_start3A_241, %dma_start3A_242] : memref<10240x128xf32, #tpu.memory_space<vmem_shared>> -> memref<10240x128xf32, #tpu.memory_space<vmem_shared>>
        tpu.enqueue_indirect_dma source(%arg9 : memref<100x128xf32, #tpu.memory_space<vmem>>) target(%dma_start3A_243 : memref<10240x128xf32, #tpu.memory_space<vmem_shared>>) offsets(%dma_start3A_240 : memref<100xi32, #tpu.memory_space<vmem>>) semaphore(%arg15 : memref<!tpu.dma_semaphore, #tpu.memory_space<semaphore_mem>>) {add = true}
        %sub3A_244 = arith.constant 1 : i32
        %sub3A_245 = arith.subi %add3A_231, %sub3A_244 : i32
        %dma_wait3A_246 = arith.constant 0 : i32
        %dma_wait3A_247 = tpu.memref_slice %arg8[%sub3A_245, %dma_wait3A_246] : memref<20x100xi32, #tpu.memory_space<vmem>> -> memref<1x100xi32, #tpu.memory_space<vmem>>
        %dma_wait3A_248 = tpu.memref_squeeze %dma_wait3A_247 : memref<1x100xi32, #tpu.memory_space<vmem>> -> memref<100xi32, #tpu.memory_space<vmem>>
        %dma_wait3A_249 = arith.constant 0 : i32
        %dma_wait3A_250 = arith.constant 0 : i32
        %dma_wait3A_251 = tpu.memref_slice %arg18[%dma_wait3A_249, %dma_wait3A_250] : memref<10240x128xf32, #tpu.memory_space<vmem_shared>> -> memref<10240x128xf32, #tpu.memory_space<vmem_shared>>
        tpu.wait_indirect_dma semaphore(%arg17 : memref<!tpu.dma_semaphore, #tpu.memory_space<semaphore_mem>>) src(%arg11 : memref<100x128xf32, #tpu.memory_space<vmem>>) dst(%dma_wait3A_251 : memref<10240x128xf32, #tpu.memory_space<vmem_shared>>)
        %add3A_252 = arith.constant 2 : i32
        %add3A_253 = arith.addi %add3A_231, %add3A_252 : i32
        %dma_start3A_254 = arith.constant 0 : i32
        %dma_start3A_255 = tpu.memref_slice %arg7[%add3A_253, %dma_start3A_254] : memref<20x100xi32, #tpu.memory_space<vmem>> -> memref<1x100xi32, #tpu.memory_space<vmem>>
        %dma_start3A_256 = tpu.memref_squeeze %dma_start3A_255 : memref<1x100xi32, #tpu.memory_space<vmem>> -> memref<100xi32, #tpu.memory_space<vmem>>
        %dma_start3A_257 = arith.constant 0 : i32
        %dma_start3A_258 = arith.constant 0 : i32
        %dma_start3A_259 = tpu.memref_slice %arg2[%dma_start3A_257, %dma_start3A_258] : memref<10240x128xf32, #tpu.memory_space<hbm>> -> memref<10240x128xf32, #tpu.memory_space<hbm>>
        tpu.enqueue_indirect_dma source(%dma_start3A_259 : memref<10240x128xf32, #tpu.memory_space<hbm>>) target(%arg11 : memref<100x128xf32, #tpu.memory_space<vmem>>) offsets(%dma_start3A_256 : memref<100xi32, #tpu.memory_space<vmem>>) semaphore(%arg14 : memref<!tpu.dma_semaphore, #tpu.memory_space<semaphore_mem>>)
      }
      %scan3A_52 = arith.constant 5 : i32
      %dma_wait3A_53 = arith.constant 16 : i32
      %dma_wait3A_54 = arith.constant 0 : i32
      %dma_wait3A_55 = tpu.memref_slice %arg7[%dma_wait3A_53, %dma_wait3A_54] : memref<20x100xi32, #tpu.memory_space<vmem>> -> memref<1x100xi32, #tpu.memory_space<vmem>>
      %dma_wait3A_56 = tpu.memref_squeeze %dma_wait3A_55 : memref<1x100xi32, #tpu.memory_space<vmem>> -> memref<100xi32, #tpu.memory_space<vmem>>
      %dma_wait3A_57 = arith.constant 0 : i32
      %dma_wait3A_58 = arith.constant 0 : i32
      %dma_wait3A_59 = tpu.memref_slice %arg2[%dma_wait3A_57, %dma_wait3A_58] : memref<10240x128xf32, #tpu.memory_space<hbm>> -> memref<10240x128xf32, #tpu.memory_space<hbm>>
      tpu.wait_indirect_dma semaphore(%arg13 : memref<!tpu.dma_semaphore, #tpu.memory_space<semaphore_mem>>) src(%dma_wait3A_59 : memref<10240x128xf32, #tpu.memory_space<hbm>>) dst(%arg10 : memref<100x128xf32, #tpu.memory_space<vmem>>)
      %dma_start3A_60 = arith.constant 16 : i32
      %dma_start3A_61 = arith.constant 0 : i32
      %dma_start3A_62 = tpu.memref_slice %arg8[%dma_start3A_60, %dma_start3A_61] : memref<20x100xi32, #tpu.memory_space<vmem>> -> memref<1x100xi32, #tpu.memory_space<vmem>>
      %dma_start3A_63 = tpu.memref_squeeze %dma_start3A_62 : memref<1x100xi32, #tpu.memory_space<vmem>> -> memref<100xi32, #tpu.memory_space<vmem>>
      %dma_start3A_64 = arith.constant 0 : i32
      %dma_start3A_65 = arith.constant 0 : i32
      %dma_start3A_66 = tpu.memref_slice %arg18[%dma_start3A_64, %dma_start3A_65] : memref<10240x128xf32, #tpu.memory_space<vmem_shared>> -> memref<10240x128xf32, #tpu.memory_space<vmem_shared>>
      tpu.enqueue_indirect_dma source(%arg10 : memref<100x128xf32, #tpu.memory_space<vmem>>) target(%dma_start3A_66 : memref<10240x128xf32, #tpu.memory_space<vmem_shared>>) offsets(%dma_start3A_63 : memref<100xi32, #tpu.memory_space<vmem>>) semaphore(%arg16 : memref<!tpu.dma_semaphore, #tpu.memory_space<semaphore_mem>>) {add = true}
      %dma_wait3A_67 = arith.constant 15 : i32
      %dma_wait3A_68 = arith.constant 0 : i32
      %dma_wait3A_69 = tpu.memref_slice %arg8[%dma_wait3A_67, %dma_wait3A_68] : memref<20x100xi32, #tpu.memory_space<vmem>> -> memref<1x100xi32, #tpu.memory_space<vmem>>
      %dma_wait3A_70 = tpu.memref_squeeze %dma_wait3A_69 : memref<1x100xi32, #tpu.memory_space<vmem>> -> memref<100xi32, #tpu.memory_space<vmem>>
      %dma_wait3A_71 = arith.constant 0 : i32
      %dma_wait3A_72 = arith.constant 0 : i32
      %dma_wait3A_73 = tpu.memref_slice %arg18[%dma_wait3A_71, %dma_wait3A_72] : memref<10240x128xf32, #tpu.memory_space<vmem_shared>> -> memref<10240x128xf32, #tpu.memory_space<vmem_shared>>
      tpu.wait_indirect_dma semaphore(%arg15 : memref<!tpu.dma_semaphore, #tpu.memory_space<semaphore_mem>>) src(%arg9 : memref<100x128xf32, #tpu.memory_space<vmem>>) dst(%dma_wait3A_73 : memref<10240x128xf32, #tpu.memory_space<vmem_shared>>)
      %dma_start3A_74 = arith.constant 18 : i32
      %dma_start3A_75 = arith.constant 0 : i32
      %dma_start3A_76 = tpu.memref_slice %arg7[%dma_start3A_74, %dma_start3A_75] : memref<20x100xi32, #tpu.memory_space<vmem>> -> memref<1x100xi32, #tpu.memory_space<vmem>>
      %dma_start3A_77 = tpu.memref_squeeze %dma_start3A_76 : memref<1x100xi32, #tpu.memory_space<vmem>> -> memref<100xi32, #tpu.memory_space<vmem>>
      %dma_start3A_78 = arith.constant 0 : i32
      %dma_start3A_79 = arith.constant 0 : i32
      %dma_start3A_80 = tpu.memref_slice %arg2[%dma_start3A_78, %dma_start3A_79] : memref<10240x128xf32, #tpu.memory_space<hbm>> -> memref<10240x128xf32, #tpu.memory_space<hbm>>
      tpu.enqueue_indirect_dma source(%dma_start3A_80 : memref<10240x128xf32, #tpu.memory_space<hbm>>) target(%arg9 : memref<100x128xf32, #tpu.memory_space<vmem>>) offsets(%dma_start3A_77 : memref<100xi32, #tpu.memory_space<vmem>>) semaphore(%arg12 : memref<!tpu.dma_semaphore, #tpu.memory_space<semaphore_mem>>)
      %dma_wait3A_81 = arith.constant 17 : i32
      %dma_wait3A_82 = arith.constant 0 : i32
      %dma_wait3A_83 = tpu.memref_slice %arg7[%dma_wait3A_81, %dma_wait3A_82] : memref<20x100xi32, #tpu.memory_space<vmem>> -> memref<1x100xi32, #tpu.memory_space<vmem>>
      %dma_wait3A_84 = tpu.memref_squeeze %dma_wait3A_83 : memref<1x100xi32, #tpu.memory_space<vmem>> -> memref<100xi32, #tpu.memory_space<vmem>>
      %dma_wait3A_85 = arith.constant 0 : i32
      %dma_wait3A_86 = arith.constant 0 : i32
      %dma_wait3A_87 = tpu.memref_slice %arg2[%dma_wait3A_85, %dma_wait3A_86] : memref<10240x128xf32, #tpu.memory_space<hbm>> -> memref<10240x128xf32, #tpu.memory_space<hbm>>
      tpu.wait_indirect_dma semaphore(%arg14 : memref<!tpu.dma_semaphore, #tpu.memory_space<semaphore_mem>>) src(%dma_wait3A_87 : memref<10240x128xf32, #tpu.memory_space<hbm>>) dst(%arg11 : memref<100x128xf32, #tpu.memory_space<vmem>>)
      %dma_start3A_88 = arith.constant 17 : i32
      %dma_start3A_89 = arith.constant 0 : i32
      %dma_start3A_90 = tpu.memref_slice %arg8[%dma_start3A_88, %dma_start3A_89] : memref<20x100xi32, #tpu.memory_space<vmem>> -> memref<1x100xi32, #tpu.memory_space<vmem>>
      %dma_start3A_91 = tpu.memref_squeeze %dma_start3A_90 : memref<1x100xi32, #tpu.memory_space<vmem>> -> memref<100xi32, #tpu.memory_space<vmem>>
      %dma_start3A_92 = arith.constant 0 : i32
      %dma_start3A_93 = arith.constant 0 : i32
      %dma_start3A_94 = tpu.memref_slice %arg18[%dma_start3A_92, %dma_start3A_93] : memref<10240x128xf32, #tpu.memory_space<vmem_shared>> -> memref<10240x128xf32, #tpu.memory_space<vmem_shared>>
      tpu.enqueue_indirect_dma source(%arg11 : memref<100x128xf32, #tpu.memory_space<vmem>>) target(%dma_start3A_94 : memref<10240x128xf32, #tpu.memory_space<vmem_shared>>) offsets(%dma_start3A_91 : memref<100xi32, #tpu.memory_space<vmem>>) semaphore(%arg17 : memref<!tpu.dma_semaphore, #tpu.memory_space<semaphore_mem>>) {add = true}
      %dma_wait3A_95 = arith.constant 16 : i32
      %dma_wait3A_96 = arith.constant 0 : i32
      %dma_wait3A_97 = tpu.memref_slice %arg8[%dma_wait3A_95, %dma_wait3A_96] : memref<20x100xi32, #tpu.memory_space<vmem>> -> memref<1x100xi32, #tpu.memory_space<vmem>>
      %dma_wait3A_98 = tpu.memref_squeeze %dma_wait3A_97 : memref<1x100xi32, #tpu.memory_space<vmem>> -> memref<100xi32, #tpu.memory_space<vmem>>
      %dma_wait3A_99 = arith.constant 0 : i32
      %dma_wait3A_100 = arith.constant 0 : i32
      %dma_wait3A_101 = tpu.memref_slice %arg18[%dma_wait3A_99, %dma_wait3A_100] : memref<10240x128xf32, #tpu.memory_space<vmem_shared>> -> memref<10240x128xf32, #tpu.memory_space<vmem_shared>>
      tpu.wait_indirect_dma semaphore(%arg16 : memref<!tpu.dma_semaphore, #tpu.memory_space<semaphore_mem>>) src(%arg10 : memref<100x128xf32, #tpu.memory_space<vmem>>) dst(%dma_wait3A_101 : memref<10240x128xf32, #tpu.memory_space<vmem_shared>>)
      %dma_start3A_102 = arith.constant 19 : i32
      %dma_start3A_103 = arith.constant 0 : i32
      %dma_start3A_104 = tpu.memref_slice %arg7[%dma_start3A_102, %dma_start3A_103] : memref<20x100xi32, #tpu.memory_space<vmem>> -> memref<1x100xi32, #tpu.memory_space<vmem>>
      %dma_start3A_105 = tpu.memref_squeeze %dma_start3A_104 : memref<1x100xi32, #tpu.memory_space<vmem>> -> memref<100xi32, #tpu.memory_space<vmem>>
      %dma_start3A_106 = arith.constant 0 : i32
      %dma_start3A_107 = arith.constant 0 : i32
      %dma_start3A_108 = tpu.memref_slice %arg2[%dma_start3A_106, %dma_start3A_107] : memref<10240x128xf32, #tpu.memory_space<hbm>> -> memref<10240x128xf32, #tpu.memory_space<hbm>>
      tpu.enqueue_indirect_dma source(%dma_start3A_108 : memref<10240x128xf32, #tpu.memory_space<hbm>>) target(%arg10 : memref<100x128xf32, #tpu.memory_space<vmem>>) offsets(%dma_start3A_105 : memref<100xi32, #tpu.memory_space<vmem>>) semaphore(%arg13 : memref<!tpu.dma_semaphore, #tpu.memory_space<semaphore_mem>>)
      %dma_wait3A_109 = arith.constant 18 : i32
      %dma_wait3A_110 = arith.constant 0 : i32
      %dma_wait3A_111 = tpu.memref_slice %arg7[%dma_wait3A_109, %dma_wait3A_110] : memref<20x100xi32, #tpu.memory_space<vmem>> -> memref<1x100xi32, #tpu.memory_space<vmem>>
      %dma_wait3A_112 = tpu.memref_squeeze %dma_wait3A_111 : memref<1x100xi32, #tpu.memory_space<vmem>> -> memref<100xi32, #tpu.memory_space<vmem>>
      %dma_wait3A_113 = arith.constant 0 : i32
      %dma_wait3A_114 = arith.constant 0 : i32
      %dma_wait3A_115 = tpu.memref_slice %arg2[%dma_wait3A_113, %dma_wait3A_114] : memref<10240x128xf32, #tpu.memory_space<hbm>> -> memref<10240x128xf32, #tpu.memory_space<hbm>>
      tpu.wait_indirect_dma semaphore(%arg12 : memref<!tpu.dma_semaphore, #tpu.memory_space<semaphore_mem>>) src(%dma_wait3A_115 : memref<10240x128xf32, #tpu.memory_space<hbm>>) dst(%arg9 : memref<100x128xf32, #tpu.memory_space<vmem>>)
      %dma_start3A_116 = arith.constant 18 : i32
      %dma_start3A_117 = arith.constant 0 : i32
      %dma_start3A_118 = tpu.memref_slice %arg8[%dma_start3A_116, %dma_start3A_117] : memref<20x100xi32, #tpu.memory_space<vmem>> -> memref<1x100xi32, #tpu.memory_space<vmem>>
      %dma_start3A_119 = tpu.memref_squeeze %dma_start3A_118 : memref<1x100xi32, #tpu.memory_space<vmem>> -> memref<100xi32, #tpu.memory_space<vmem>>
      %dma_start3A_120 = arith.constant 0 : i32
      %dma_start3A_121 = arith.constant 0 : i32
      %dma_start3A_122 = tpu.memref_slice %arg18[%dma_start3A_120, %dma_start3A_121] : memref<10240x128xf32, #tpu.memory_space<vmem_shared>> -> memref<10240x128xf32, #tpu.memory_space<vmem_shared>>
      tpu.enqueue_indirect_dma source(%arg9 : memref<100x128xf32, #tpu.memory_space<vmem>>) target(%dma_start3A_122 : memref<10240x128xf32, #tpu.memory_space<vmem_shared>>) offsets(%dma_start3A_119 : memref<100xi32, #tpu.memory_space<vmem>>) semaphore(%arg15 : memref<!tpu.dma_semaphore, #tpu.memory_space<semaphore_mem>>) {add = true}
      %dma_wait3A_123 = arith.constant 17 : i32
      %dma_wait3A_124 = arith.constant 0 : i32
      %dma_wait3A_125 = tpu.memref_slice %arg8[%dma_wait3A_123, %dma_wait3A_124] : memref<20x100xi32, #tpu.memory_space<vmem>> -> memref<1x100xi32, #tpu.memory_space<vmem>>
      %dma_wait3A_126 = tpu.memref_squeeze %dma_wait3A_125 : memref<1x100xi32, #tpu.memory_space<vmem>> -> memref<100xi32, #tpu.memory_space<vmem>>
      %dma_wait3A_127 = arith.constant 0 : i32
      %dma_wait3A_128 = arith.constant 0 : i32
      %dma_wait3A_129 = tpu.memref_slice %arg18[%dma_wait3A_127, %dma_wait3A_128] : memref<10240x128xf32, #tpu.memory_space<vmem_shared>> -> memref<10240x128xf32, #tpu.memory_space<vmem_shared>>
      tpu.wait_indirect_dma semaphore(%arg17 : memref<!tpu.dma_semaphore, #tpu.memory_space<semaphore_mem>>) src(%arg11 : memref<100x128xf32, #tpu.memory_space<vmem>>) dst(%dma_wait3A_129 : memref<10240x128xf32, #tpu.memory_space<vmem_shared>>)
      %dma_wait3A_130 = arith.constant 19 : i32
      %dma_wait3A_131 = arith.constant 0 : i32
      %dma_wait3A_132 = tpu.memref_slice %arg7[%dma_wait3A_130, %dma_wait3A_131] : memref<20x100xi32, #tpu.memory_space<vmem>> -> memref<1x100xi32, #tpu.memory_space<vmem>>
      %dma_wait3A_133 = tpu.memref_squeeze %dma_wait3A_132 : memref<1x100xi32, #tpu.memory_space<vmem>> -> memref<100xi32, #tpu.memory_space<vmem>>
      %dma_wait3A_134 = arith.constant 0 : i32
      %dma_wait3A_135 = arith.constant 0 : i32
      %dma_wait3A_136 = tpu.memref_slice %arg2[%dma_wait3A_134, %dma_wait3A_135] : memref<10240x128xf32, #tpu.memory_space<hbm>> -> memref<10240x128xf32, #tpu.memory_space<hbm>>
      tpu.wait_indirect_dma semaphore(%arg13 : memref<!tpu.dma_semaphore, #tpu.memory_space<semaphore_mem>>) src(%dma_wait3A_136 : memref<10240x128xf32, #tpu.memory_space<hbm>>) dst(%arg10 : memref<100x128xf32, #tpu.memory_space<vmem>>)
      %dma_start3A_137 = arith.constant 19 : i32
      %dma_start3A_138 = arith.constant 0 : i32
      %dma_start3A_139 = tpu.memref_slice %arg8[%dma_start3A_137, %dma_start3A_138] : memref<20x100xi32, #tpu.memory_space<vmem>> -> memref<1x100xi32, #tpu.memory_space<vmem>>
      %dma_start3A_140 = tpu.memref_squeeze %dma_start3A_139 : memref<1x100xi32, #tpu.memory_space<vmem>> -> memref<100xi32, #tpu.memory_space<vmem>>
      %dma_start3A_141 = arith.constant 0 : i32
      %dma_start3A_142 = arith.constant 0 : i32
      %dma_start3A_143 = tpu.memref_slice %arg18[%dma_start3A_141, %dma_start3A_142] : memref<10240x128xf32, #tpu.memory_space<vmem_shared>> -> memref<10240x128xf32, #tpu.memory_space<vmem_shared>>
      tpu.enqueue_indirect_dma source(%arg10 : memref<100x128xf32, #tpu.memory_space<vmem>>) target(%dma_start3A_143 : memref<10240x128xf32, #tpu.memory_space<vmem_shared>>) offsets(%dma_start3A_140 : memref<100xi32, #tpu.memory_space<vmem>>) semaphore(%arg16 : memref<!tpu.dma_semaphore, #tpu.memory_space<semaphore_mem>>) {add = true}
      %dma_wait3A_144 = arith.constant 18 : i32
      %dma_wait3A_145 = arith.constant 0 : i32
      %dma_wait3A_146 = tpu.memref_slice %arg8[%dma_wait3A_144, %dma_wait3A_145] : memref<20x100xi32, #tpu.memory_space<vmem>> -> memref<1x100xi32, #tpu.memory_space<vmem>>
      %dma_wait3A_147 = tpu.memref_squeeze %dma_wait3A_146 : memref<1x100xi32, #tpu.memory_space<vmem>> -> memref<100xi32, #tpu.memory_space<vmem>>
      %dma_wait3A_148 = arith.constant 0 : i32
      %dma_wait3A_149 = arith.constant 0 : i32
      %dma_wait3A_150 = tpu.memref_slice %arg18[%dma_wait3A_148, %dma_wait3A_149] : memref<10240x128xf32, #tpu.memory_space<vmem_shared>> -> memref<10240x128xf32, #tpu.memory_space<vmem_shared>>
      tpu.wait_indirect_dma semaphore(%arg15 : memref<!tpu.dma_semaphore, #tpu.memory_space<semaphore_mem>>) src(%arg9 : memref<100x128xf32, #tpu.memory_space<vmem>>) dst(%dma_wait3A_150 : memref<10240x128xf32, #tpu.memory_space<vmem_shared>>)
      %dma_wait3A_151 = arith.constant 19 : i32
      %dma_wait3A_152 = arith.constant 0 : i32
      %dma_wait3A_153 = tpu.memref_slice %arg8[%dma_wait3A_151, %dma_wait3A_152] : memref<20x100xi32, #tpu.memory_space<vmem>> -> memref<1x100xi32, #tpu.memory_space<vmem>>
      %dma_wait3A_154 = tpu.memref_squeeze %dma_wait3A_153 : memref<1x100xi32, #tpu.memory_space<vmem>> -> memref<100xi32, #tpu.memory_space<vmem>>
      %dma_wait3A_155 = arith.constant 0 : i32
      %dma_wait3A_156 = arith.constant 0 : i32
      %dma_wait3A_157 = tpu.memref_slice %arg18[%dma_wait3A_155, %dma_wait3A_156] : memref<10240x128xf32, #tpu.memory_space<vmem_shared>> -> memref<10240x128xf32, #tpu.memory_space<vmem_shared>>
      tpu.wait_indirect_dma semaphore(%arg16 : memref<!tpu.dma_semaphore, #tpu.memory_space<semaphore_mem>>) src(%arg10 : memref<100x128xf32, #tpu.memory_space<vmem>>) dst(%dma_wait3A_157 : memref<10240x128xf32, #tpu.memory_space<vmem_shared>>)
    }
    %scan3A_7 = arith.constant 5 : i32
    %barrier3A_8 = arith.constant 0 : index
    tpu.barrier barrier_id(%barrier3A_8)
    %mul3A_9 = arith.constant 640 : i32
    %mul3A_10 = arith.muli %arg1, %mul3A_9 : i32
    %mul3A_11 = arith.constant 640 : i32
    %mul3A_12 = arith.muli %arg1, %mul3A_11 : i32
    "tpu.region"() ({
      %run_scoped3A = tpu.sem_alloc : memref<!tpu.dma_semaphore, #tpu.memory_space<semaphore_mem>>
      %dma_start3A = arith.constant 0 : i32
      %dma_start3A_13 = tpu.memref_slice %arg6[%arg0, %mul3A_12, %dma_start3A] : memref<2x10240x128xf32, #tpu.memory_space<hbm>> -> memref<1x640x128xf32, #tpu.memory_space<hbm>>
      %dma_start3A_14 = tpu.memref_squeeze %dma_start3A_13 : memref<1x640x128xf32, #tpu.memory_space<hbm>> -> memref<640x128xf32, #tpu.memory_space<hbm>>
      %dma_start3A_15 = arith.constant 0 : i32
      %dma_start3A_16 = tpu.memref_slice %arg18[%mul3A_10, %dma_start3A_15] : memref<10240x128xf32, #tpu.memory_space<vmem_shared>> -> memref<640x128xf32, #tpu.memory_space<vmem_shared>>
      tpu.enqueue_dma source(%dma_start3A_16 : memref<640x128xf32, #tpu.memory_space<vmem_shared>>) target(%dma_start3A_14 : memref<640x128xf32, #tpu.memory_space<hbm>>) target_semaphore(%run_scoped3A : memref<!tpu.dma_semaphore, #tpu.memory_space<semaphore_mem>>)
      %dma_wait3A = arith.constant 0 : i32
      %dma_wait3A_17 = tpu.memref_slice %arg6[%arg0, %mul3A_12, %dma_wait3A] : memref<2x10240x128xf32, #tpu.memory_space<hbm>> -> memref<1x640x128xf32, #tpu.memory_space<hbm>>
      %dma_wait3A_18 = tpu.memref_squeeze %dma_wait3A_17 : memref<1x640x128xf32, #tpu.memory_space<hbm>> -> memref<640x128xf32, #tpu.memory_space<hbm>>
      %dma_wait3A_19 = arith.constant 0 : i32
      %dma_wait3A_20 = tpu.memref_slice %arg18[%mul3A_10, %dma_wait3A_19] : memref<10240x128xf32, #tpu.memory_space<vmem_shared>> -> memref<640x128xf32, #tpu.memory_space<vmem_shared>>
      tpu.wait_dma2 semaphore(%run_scoped3A : memref<!tpu.dma_semaphore, #tpu.memory_space<semaphore_mem>>) src(%dma_wait3A_20 : memref<640x128xf32, #tpu.memory_space<vmem_shared>>) dst(%dma_wait3A_18 : memref<640x128xf32, #tpu.memory_space<hbm>>)
      tpu.yield
    }) : () -> ()
    return
  }
}

#map = affine_map<(d0, d1) -> (0, 0, 0, 0)>
#map1 = affine_map<(d0, d1) -> (0)>
module attributes {stable_mosaic.version = 14 : i64} {
  func.func @k(%arg0: i32, %arg1: i32, %arg2: memref<32x5x20x100xi32, #tpu.memory_space<hbm>>, %arg3: memref<100xf32, #tpu.memory_space<hbm>>, %arg4: memref<640xf32, #tpu.memory_space<hbm>>, %arg5: memref<20480xf32, #tpu.memory_space<hbm>>, %arg6: memref<5x20x100xi32, #tpu.memory_space<vmem>>, %arg7: memref<100xf32, #tpu.memory_space<vmem>>, %arg8: memref<10240xf32, #tpu.memory_space<vmem_shared>>) attributes {dimension_semantics = [#tpu.dimension_semantics<core_parallel>, #tpu.dimension_semantics<subcore_parallel>], iteration_bounds = array<i64: 2, 16>, scalar_prefetch = 0 : i64, scratch_operands = 3 : i64, tpu.core_type = #tpu.core_type<sc_vector_subcore>, window_params = [{transform_indices = #map}, {transform_indices = #map1}, {transform_indices = #map1}, {transform_indices = #map1}]} {
    %mul3A = arith.constant 16 : i32
    %mul3A_0 = arith.muli %arg0, %mul3A : i32
    %add3A = arith.addi %mul3A_0, %arg1 : i32
    "tpu.region"() ({
      %run_scoped3A = tpu.sem_alloc : memref<!tpu.dma_semaphore, #tpu.memory_space<semaphore_mem>>
      %dma_start3A = arith.constant 0 : i32
      %dma_start3A_16 = arith.constant 0 : i32
      %dma_start3A_17 = arith.constant 0 : i32
      %dma_start3A_18 = tpu.memref_slice %arg2[%add3A, %dma_start3A, %dma_start3A_16, %dma_start3A_17] : memref<32x5x20x100xi32, #tpu.memory_space<hbm>> -> memref<1x5x20x100xi32, #tpu.memory_space<hbm>>
      %dma_start3A_19 = tpu.memref_squeeze %dma_start3A_18 : memref<1x5x20x100xi32, #tpu.memory_space<hbm>> -> memref<5x20x100xi32, #tpu.memory_space<hbm>>
      %dma_start3A_20 = arith.constant 0 : i32
      %dma_start3A_21 = arith.constant 0 : i32
      %dma_start3A_22 = arith.constant 0 : i32
      %dma_start3A_23 = tpu.memref_slice %arg2[%add3A, %dma_start3A_20, %dma_start3A_21, %dma_start3A_22] : memref<32x5x20x100xi32, #tpu.memory_space<hbm>> -> memref<1x5x20x100xi32, #tpu.memory_space<hbm>>
      %dma_start3A_24 = tpu.memref_squeeze %dma_start3A_23 : memref<1x5x20x100xi32, #tpu.memory_space<hbm>> -> memref<5x20x100xi32, #tpu.memory_space<hbm>>
      tpu.enqueue_dma source(%dma_start3A_24 : memref<5x20x100xi32, #tpu.memory_space<hbm>>) target(%arg6 : memref<5x20x100xi32, #tpu.memory_space<vmem>>) target_semaphore(%run_scoped3A : memref<!tpu.dma_semaphore, #tpu.memory_space<semaphore_mem>>)
      %dma_wait3A = arith.constant 0 : i32
      %dma_wait3A_25 = arith.constant 0 : i32
      %dma_wait3A_26 = arith.constant 0 : i32
      %dma_wait3A_27 = tpu.memref_slice %arg2[%add3A, %dma_wait3A, %dma_wait3A_25, %dma_wait3A_26] : memref<32x5x20x100xi32, #tpu.memory_space<hbm>> -> memref<1x5x20x100xi32, #tpu.memory_space<hbm>>
      %dma_wait3A_28 = tpu.memref_squeeze %dma_wait3A_27 : memref<1x5x20x100xi32, #tpu.memory_space<hbm>> -> memref<5x20x100xi32, #tpu.memory_space<hbm>>
      %dma_wait3A_29 = arith.constant 0 : i32
      %dma_wait3A_30 = arith.constant 0 : i32
      %dma_wait3A_31 = arith.constant 0 : i32
      %dma_wait3A_32 = tpu.memref_slice %arg2[%add3A, %dma_wait3A_29, %dma_wait3A_30, %dma_wait3A_31] : memref<32x5x20x100xi32, #tpu.memory_space<hbm>> -> memref<1x5x20x100xi32, #tpu.memory_space<hbm>>
      %dma_wait3A_33 = tpu.memref_squeeze %dma_wait3A_32 : memref<1x5x20x100xi32, #tpu.memory_space<hbm>> -> memref<5x20x100xi32, #tpu.memory_space<hbm>>
      tpu.wait_dma2 semaphore(%run_scoped3A : memref<!tpu.dma_semaphore, #tpu.memory_space<semaphore_mem>>) src(%dma_wait3A_33 : memref<5x20x100xi32, #tpu.memory_space<hbm>>) dst(%arg6 : memref<5x20x100xi32, #tpu.memory_space<vmem>>)
      tpu.yield
    }) : () -> ()
    "tpu.region"() ({
      %run_scoped3A = tpu.sem_alloc : memref<!tpu.dma_semaphore, #tpu.memory_space<semaphore_mem>>
      tpu.enqueue_dma source(%arg3 : memref<100xf32, #tpu.memory_space<hbm>>) target(%arg7 : memref<100xf32, #tpu.memory_space<vmem>>) target_semaphore(%run_scoped3A : memref<!tpu.dma_semaphore, #tpu.memory_space<semaphore_mem>>)
      tpu.wait_dma2 semaphore(%run_scoped3A : memref<!tpu.dma_semaphore, #tpu.memory_space<semaphore_mem>>) src(%arg3 : memref<100xf32, #tpu.memory_space<hbm>>) dst(%arg7 : memref<100xf32, #tpu.memory_space<vmem>>)
      tpu.yield
    }) : () -> ()
    %mul3A_1 = arith.constant 640 : i32
    %mul3A_2 = arith.muli %arg1, %mul3A_1 : i32
    "tpu.region"() ({
      %run_scoped3A = tpu.sem_alloc : memref<!tpu.dma_semaphore, #tpu.memory_space<semaphore_mem>>
      %dma_start3A = tpu.memref_slice %arg8[%mul3A_2] : memref<10240xf32, #tpu.memory_space<vmem_shared>> -> memref<640xf32, #tpu.memory_space<vmem_shared>>
      tpu.enqueue_dma source(%arg4 : memref<640xf32, #tpu.memory_space<hbm>>) target(%dma_start3A : memref<640xf32, #tpu.memory_space<vmem_shared>>) target_semaphore(%run_scoped3A : memref<!tpu.dma_semaphore, #tpu.memory_space<semaphore_mem>>)
      %dma_wait3A = tpu.memref_slice %arg8[%mul3A_2] : memref<10240xf32, #tpu.memory_space<vmem_shared>> -> memref<640xf32, #tpu.memory_space<vmem_shared>>
      tpu.wait_dma2 semaphore(%run_scoped3A : memref<!tpu.dma_semaphore, #tpu.memory_space<semaphore_mem>>) src(%arg4 : memref<640xf32, #tpu.memory_space<hbm>>) dst(%dma_wait3A : memref<640xf32, #tpu.memory_space<vmem_shared>>)
      tpu.yield
    }) : () -> ()
    %barrier3A = arith.constant 0 : index
    tpu.barrier barrier_id(%barrier3A)
    %scan3A = arith.constant 0 : i32
    %scan3A_3 = arith.constant 0 : i32
    %scan3A_4 = arith.constant 5 : i32
    %scan3A_5 = arith.addi %scan3A_3, %scan3A_4 : i32
    %scan3A_6 = arith.constant 1 : i32
    scf.for %scan3A_16 = %scan3A_3 to %scan3A_5 step %scan3A_6  : i32 {
      %scan3A_17 = arith.constant 0 : i32
      %scan3A_18 = arith.constant 0 : i32
      %scan3A_19 = arith.constant 20 : i32
      %scan3A_20 = arith.addi %scan3A_18, %scan3A_19 : i32
      %scan3A_21 = arith.constant 1 : i32
      scf.for %scan3A_23 = %scan3A_18 to %scan3A_20 step %scan3A_21  : i32 {
        "tpu.region"() ({
          %run_scoped3A = tpu.sem_alloc : memref<!tpu.dma_semaphore, #tpu.memory_space<semaphore_mem>>
          %dma_start3A = arith.constant 0 : i32
          %dma_start3A_24 = tpu.memref_slice %arg6[%scan3A_16, %scan3A_23, %dma_start3A] : memref<5x20x100xi32, #tpu.memory_space<vmem>> -> memref<1x1x100xi32, #tpu.memory_space<vmem>>
          %dma_start3A_25 = tpu.memref_squeeze %dma_start3A_24 : memref<1x1x100xi32, #tpu.memory_space<vmem>> -> memref<100xi32, #tpu.memory_space<vmem>>
          %dma_start3A_26 = arith.constant 0 : i32
          %dma_start3A_27 = tpu.memref_slice %arg8[%dma_start3A_26] : memref<10240xf32, #tpu.memory_space<vmem_shared>> -> memref<10240xf32, #tpu.memory_space<vmem_shared>>
          tpu.enqueue_indirect_dma source(%arg7 : memref<100xf32, #tpu.memory_space<vmem>>) target(%dma_start3A_27 : memref<10240xf32, #tpu.memory_space<vmem_shared>>) offsets(%dma_start3A_25 : memref<100xi32, #tpu.memory_space<vmem>>) semaphore(%run_scoped3A : memref<!tpu.dma_semaphore, #tpu.memory_space<semaphore_mem>>) {add = true}
          %dma_wait3A = arith.constant 0 : i32
          %dma_wait3A_28 = tpu.memref_slice %arg6[%scan3A_16, %scan3A_23, %dma_wait3A] : memref<5x20x100xi32, #tpu.memory_space<vmem>> -> memref<1x1x100xi32, #tpu.memory_space<vmem>>
          %dma_wait3A_29 = tpu.memref_squeeze %dma_wait3A_28 : memref<1x1x100xi32, #tpu.memory_space<vmem>> -> memref<100xi32, #tpu.memory_space<vmem>>
          %dma_wait3A_30 = arith.constant 0 : i32
          %dma_wait3A_31 = tpu.memref_slice %arg8[%dma_wait3A_30] : memref<10240xf32, #tpu.memory_space<vmem_shared>> -> memref<10240xf32, #tpu.memory_space<vmem_shared>>
          tpu.wait_indirect_dma semaphore(%run_scoped3A : memref<!tpu.dma_semaphore, #tpu.memory_space<semaphore_mem>>) src(%arg7 : memref<100xf32, #tpu.memory_space<vmem>>) dst(%dma_wait3A_31 : memref<10240xf32, #tpu.memory_space<vmem_shared>>)
          tpu.yield
        }) : () -> ()
      }
      %scan3A_22 = arith.constant 20 : i32
    }
    %scan3A_7 = arith.constant 5 : i32
    %barrier3A_8 = arith.constant 0 : index
    tpu.barrier barrier_id(%barrier3A_8)
    %mul3A_9 = arith.constant 640 : i32
    %mul3A_10 = arith.muli %arg1, %mul3A_9 : i32
    %mul3A_11 = arith.constant 10240 : i32
    %mul3A_12 = arith.muli %arg0, %mul3A_11 : i32
    %mul3A_13 = arith.constant 640 : i32
    %mul3A_14 = arith.muli %arg1, %mul3A_13 : i32
    %add3A_15 = arith.addi %mul3A_12, %mul3A_14 : i32
    "tpu.region"() ({
      %run_scoped3A = tpu.sem_alloc : memref<!tpu.dma_semaphore, #tpu.memory_space<semaphore_mem>>
      %dma_start3A = tpu.memref_slice %arg5[%add3A_15] : memref<20480xf32, #tpu.memory_space<hbm>> -> memref<640xf32, #tpu.memory_space<hbm>>
      %dma_start3A_16 = tpu.memref_slice %arg8[%mul3A_10] : memref<10240xf32, #tpu.memory_space<vmem_shared>> -> memref<640xf32, #tpu.memory_space<vmem_shared>>
      tpu.enqueue_dma source(%dma_start3A_16 : memref<640xf32, #tpu.memory_space<vmem_shared>>) target(%dma_start3A : memref<640xf32, #tpu.memory_space<hbm>>) target_semaphore(%run_scoped3A : memref<!tpu.dma_semaphore, #tpu.memory_space<semaphore_mem>>)
      %dma_wait3A = tpu.memref_slice %arg5[%add3A_15] : memref<20480xf32, #tpu.memory_space<hbm>> -> memref<640xf32, #tpu.memory_space<hbm>>
      %dma_wait3A_17 = tpu.memref_slice %arg8[%mul3A_10] : memref<10240xf32, #tpu.memory_space<vmem_shared>> -> memref<640xf32, #tpu.memory_space<vmem_shared>>
      tpu.wait_dma2 semaphore(%run_scoped3A : memref<!tpu.dma_semaphore, #tpu.memory_space<semaphore_mem>>) src(%dma_wait3A_17 : memref<640xf32, #tpu.memory_space<vmem_shared>>) dst(%dma_wait3A : memref<640xf32, #tpu.memory_space<hbm>>)
      tpu.yield
    }) : () -> ()
    return
  }
}

module attributes {stable_mosaic.version = 14 : i64} {
  func.func @body(%arg0: i32, %arg1: memref<512x128xf32, #tpu.memory_space<vmem>>, %arg2: memref<128x128xf32, #tpu.memory_space<vmem>>, %arg3: memref<2x10240xf32, #tpu.memory_space<vmem>>, %arg4: memref<512x128xf32, #tpu.memory_space<vmem>>) attributes {dimension_semantics = [#tpu.dimension_semantics<arbitrary>], iteration_bounds = array<i64: 20>, scalar_prefetch = 0 : i64, scratch_operands = 0 : i64, tpu.core_type = #tpu.core_type<tc>, window_params = [{transform_indices = @transform_0, window_bounds = array<i64: 512, 128>}, {pipeline_mode = #tpu.pipeline_mode<synchronous>, transform_indices = @transform_1, window_bounds = array<i64: 128, 128>}, {pipeline_mode = #tpu.pipeline_mode<synchronous>, transform_indices = @transform_2, window_bounds = array<i64: 2, 10240>}, {transform_indices = @transform_3, window_bounds = array<i64: 512, 128>}]} {
    %get3A = arith.constant 0 : index
    %get3A_0 = arith.constant 0 : index
    %get3A_1 = vector.load %arg1[%get3A, %get3A_0] : memref<512x128xf32, #tpu.memory_space<vmem>>, vector<512x128xf32>
    %get3A_2 = arith.constant 0 : index
    %get3A_3 = arith.constant 0 : index
    %get3A_4 = vector.load %arg2[%get3A_2, %get3A_3] : memref<128x128xf32, #tpu.memory_space<vmem>>, vector<128x128xf32>
    %dot_general3A = arith.constant dense<0.000000e+00> : vector<512x128xf32>
    %dot_general3A_5 = tpu.matmul %get3A_1, %get3A_4, %dot_general3A {dimension_numbers = #tpu.dot_dimension_numbers<[1], [0], [0], [1], [0, 0, 1, 1], [], []>, transpose_lhs_hint = false} : vector<512x128xf32>, vector<128x128xf32>, vector<512x128xf32> -> vector<512x128xf32>
    %mul3A = arith.constant 512 : i32
    %mul3A_6 = arith.muli %arg0, %mul3A : i32
    %get3A_7 = arith.constant 0 : index
    %get3A_8 = arith.index_cast %mul3A_6 : i32 to index
    %get3A_9 = vector.load %arg3[%get3A_7, %get3A_8] : memref<2x10240xf32, #tpu.memory_space<vmem>>, vector<2x512xf32>
    %slice3A = vector.extract_strided_slice %get3A_9 {offsets = [0, 0], sizes = [1, 512], strides = [1, 1]} : vector<2x512xf32> to vector<1x512xf32>
    %squeeze3A = vector.shape_cast %slice3A : vector<1x512xf32> to vector<512xf32>
    %slice3A_10 = vector.extract_strided_slice %get3A_9 {offsets = [1, 0], sizes = [1, 512], strides = [1, 1]} : vector<2x512xf32> to vector<1x512xf32>
    %squeeze3A_11 = vector.shape_cast %slice3A_10 : vector<1x512xf32> to vector<512xf32>
    %add3A = arith.addf %squeeze3A, %squeeze3A_11 : vector<512xf32>
    %add3A_12 = arith.constant 1.000000e+00 : f32
    %add3A_13 = vector.broadcast %add3A_12 : f32 to vector<512xf32>
    %add3A_14 = arith.addf %add3A, %add3A_13 : vector<512xf32>
    %rsqrt3A = math.rsqrt %add3A_14 : vector<512xf32>
    %broadcast_in_dim3A = vector.shape_cast %rsqrt3A : vector<512xf32> to vector<512x1xf32>
    %mul3A_15 = vector.broadcast %broadcast_in_dim3A : vector<512x1xf32> to vector<512x128xf32>
    %mul3A_16 = arith.mulf %dot_general3A_5, %mul3A_15 : vector<512x128xf32>
    %swap3A = arith.constant 0 : index
    %swap3A_17 = arith.constant 0 : index
    %swap3A_18 = vector.load %arg4[%swap3A, %swap3A_17] : memref<512x128xf32, #tpu.memory_space<vmem>>, vector<512x128xf32>
    tpu.vector_store %arg4[%swap3A, %swap3A_17], %mul3A_16 {strides = array<i32>} : memref<512x128xf32, #tpu.memory_space<vmem>>, vector<512x128xf32>,
    return
  }
  func.func @transform_0(%arg0: i32) -> (i32, i32) {
    %c0_i32 = arith.constant 0 : i32
    %c0_i32_0 = arith.constant 0 : i32
    return %arg0, %c0_i32 : i32, i32
  }
  func.func @transform_1(%arg0: i32) -> (i32, i32) {
    %c0_i32 = arith.constant 0 : i32
    %c0_i32_0 = arith.constant 0 : i32
    %c0_i32_1 = arith.constant 0 : i32
    return %c0_i32, %c0_i32_0 : i32, i32
  }
  func.func @transform_2(%arg0: i32) -> (i32, i32) {
    %c0_i32 = arith.constant 0 : i32
    %c0_i32_0 = arith.constant 0 : i32
    %c0_i32_1 = arith.constant 0 : i32
    return %c0_i32, %c0_i32_0 : i32, i32
  }
  func.func @transform_3(%arg0: i32) -> (i32, i32) {
    %c0_i32 = arith.constant 0 : i32
    %c0_i32_0 = arith.constant 0 : i32
    return %arg0, %c0_i32 : i32, i32
  }
}

module attributes {stable_mosaic.version = 14 : i64} {
  func.func @body(%arg0: i32, %arg1: memref<2x512x128xf32, #tpu.memory_space<vmem>>, %arg2: memref<512x128xf32, #tpu.memory_space<vmem>>, %arg3: memref<2x10240xf32, #tpu.memory_space<vmem>>, %arg4: memref<1x128xf32, #tpu.memory_space<vmem>>, %arg5: memref<512x128xf32, #tpu.memory_space<vmem>>) attributes {dimension_semantics = [#tpu.dimension_semantics<arbitrary>], iteration_bounds = array<i64: 20>, scalar_prefetch = 0 : i64, scratch_operands = 0 : i64, tpu.core_type = #tpu.core_type<tc>, window_params = [{transform_indices = @transform_0, window_bounds = array<i64: 2, 512, 128>}, {transform_indices = @transform_1, window_bounds = array<i64: 512, 128>}, {pipeline_mode = #tpu.pipeline_mode<synchronous>, transform_indices = @transform_2, window_bounds = array<i64: 2, 10240>}, {pipeline_mode = #tpu.pipeline_mode<synchronous>, transform_indices = @transform_3, window_bounds = array<i64: 1, 128>}, {transform_indices = @transform_4, window_bounds = array<i64: 512, 128>}]} {
    %mul3A = arith.constant 512 : i32
    %mul3A_0 = arith.muli %arg0, %mul3A : i32
    %get3A = arith.constant 0 : index
    %get3A_1 = arith.index_cast %mul3A_0 : i32 to index
    %get3A_2 = vector.load %arg3[%get3A, %get3A_1] : memref<2x10240xf32, #tpu.memory_space<vmem>>, vector<2x512xf32>
    %slice3A = vector.extract_strided_slice %get3A_2 {offsets = [0, 0], sizes = [1, 512], strides = [1, 1]} : vector<2x512xf32> to vector<1x512xf32>
    %squeeze3A = vector.shape_cast %slice3A : vector<1x512xf32> to vector<512xf32>
    %slice3A_3 = vector.extract_strided_slice %get3A_2 {offsets = [1, 0], sizes = [1, 512], strides = [1, 1]} : vector<2x512xf32> to vector<1x512xf32>
    %squeeze3A_4 = vector.shape_cast %slice3A_3 : vector<1x512xf32> to vector<512xf32>
    %add3A = arith.addf %squeeze3A, %squeeze3A_4 : vector<512xf32>
    %add3A_5 = arith.constant 1.000000e+00 : f32
    %add3A_6 = vector.broadcast %add3A_5 : f32 to vector<512xf32>
    %add3A_7 = arith.addf %add3A, %add3A_6 : vector<512xf32>
    %rsqrt3A = math.rsqrt %add3A_7 : vector<512xf32>
    %get3A_8 = arith.constant 0 : index
    %get3A_9 = arith.constant 0 : index
    %get3A_10 = arith.constant 0 : index
    %get3A_11 = vector.load %arg1[%get3A_8, %get3A_9, %get3A_10] : memref<2x512x128xf32, #tpu.memory_space<vmem>>, vector<1x512x128xf32>
    %get3A_12 = vector.shape_cast %get3A_11 : vector<1x512x128xf32> to vector<512x128xf32>
    %get3A_13 = arith.constant 1 : index
    %get3A_14 = arith.constant 0 : index
    %get3A_15 = arith.constant 0 : index
    %get3A_16 = vector.load %arg1[%get3A_13, %get3A_14, %get3A_15] : memref<2x512x128xf32, #tpu.memory_space<vmem>>, vector<1x512x128xf32>
    %get3A_17 = vector.shape_cast %get3A_16 : vector<1x512x128xf32> to vector<512x128xf32>
    %add3A_18 = arith.addf %get3A_12, %get3A_17 : vector<512x128xf32>
    %get3A_19 = arith.constant 0 : index
    %get3A_20 = arith.constant 0 : index
    %get3A_21 = vector.load %arg2[%get3A_19, %get3A_20] : memref<512x128xf32, #tpu.memory_space<vmem>>, vector<512x128xf32>
    %add3A_22 = arith.addf %add3A_18, %get3A_21 : vector<512x128xf32>
    %broadcast_in_dim3A = vector.shape_cast %rsqrt3A : vector<512xf32> to vector<512x1xf32>
    %mul3A_23 = vector.broadcast %broadcast_in_dim3A : vector<512x1xf32> to vector<512x128xf32>
    %mul3A_24 = arith.mulf %add3A_22, %mul3A_23 : vector<512x128xf32>
    %get3A_25 = arith.constant 0 : index
    %get3A_26 = arith.constant 0 : index
    %get3A_27 = vector.load %arg4[%get3A_25, %get3A_26] : memref<1x128xf32, #tpu.memory_space<vmem>>, vector<1x128xf32>
    %add3A_28 = vector.broadcast %get3A_27 : vector<1x128xf32> to vector<512x128xf32>
    %add3A_29 = arith.addf %mul3A_24, %add3A_28 : vector<512x128xf32>
    %swap3A = arith.constant 0 : index
    %swap3A_30 = arith.constant 0 : index
    %swap3A_31 = vector.load %arg5[%swap3A, %swap3A_30] : memref<512x128xf32, #tpu.memory_space<vmem>>, vector<512x128xf32>
    tpu.vector_store %arg5[%swap3A, %swap3A_30], %add3A_29 {strides = array<i32>} : memref<512x128xf32, #tpu.memory_space<vmem>>, vector<512x128xf32>,
    return
  }
  func.func @transform_0(%arg0: i32) -> (i32, i32, i32) {
    %c0_i32 = arith.constant 0 : i32
    %c0_i32_0 = arith.constant 0 : i32
    %c0_i32_1 = arith.constant 0 : i32
    return %c0_i32, %arg0, %c0_i32_0 : i32, i32, i32
  }
  func.func @transform_1(%arg0: i32) -> (i32, i32) {
    %c0_i32 = arith.constant 0 : i32
    %c0_i32_0 = arith.constant 0 : i32
    return %arg0, %c0_i32 : i32, i32
  }
  func.func @transform_2(%arg0: i32) -> (i32, i32) {
    %c0_i32 = arith.constant 0 : i32
    %c0_i32_0 = arith.constant 0 : i32
    %c0_i32_1 = arith.constant 0 : i32
    return %c0_i32, %c0_i32_0 : i32, i32
  }
  func.func @transform_3(%arg0: i32) -> (i32, i32) {
    %c0_i32 = arith.constant 0 : i32
    %c0_i32_0 = arith.constant 0 : i32
    %c0_i32_1 = arith.constant 0 : i32
    return %c0_i32, %c0_i32_0 : i32, i32
  }
  func.func @transform_4(%arg0: i32) -> (i32, i32) {
    %c0_i32 = arith.constant 0 : i32
    %c0_i32_0 = arith.constant 0 : i32
    return %arg0, %c0_i32 : i32, i32
  }
}

</mosaic_0001>

<sc_bundles>
// kernel: kernel.6.cloned.1.call-start
scs
__scs_entry_jumppad:
0x0: {  	(pc) =	sbr.rel $0x88, $3  }
0x1: {  	(tag) =	ssettag $0x0;
	lr =	simm.s32 $0x1  }
0x2: {  	[smem:$0x3F9D] =	sst lr;
	_ =	strace $0xD0000000  }
0x3: {  	_ = 	snop  }
0x4: {  	_ = 	snop  }
0x5: {  	_ = 	snop  }
0x6: {  	_ = 	snop  }
0x7: {  	_ = 	snop  }
__scs_overlays_trampoline_lowered:
0x8: {  	[smem:$0x3FAC] =	sst s0  }
0x9: {  	[smem:$0x3FAD] =	sst s1  }
0xa: {  	[smem:$0x3FAE] =	sst s2  }
0xb: {  	[smem:$0x3FAF] =	sst s3  }
0xc: {  	[smem:$0x3FB0] =	sst s4  }
0xd: {  	[smem:$0x3FB1] =	sst s5  }
0xe: {  	[smem:$0x3FB2] =	sst s6  }
0xf: {  	[smem:$0x3FB3] =	sst s7  }
0x10: {  	[smem:$0x3FB4] =	sst s8  }
0x11: {  	[smem:$0x3FB5] =	sst s9;
	s0 =	simm.s32 @!p0 $0x0  }
0x12: {  	s1 =	sld [smem:$0x3F9B];
	s0 =	simm.s32 @p0 $0x1  }
0x13: {  	[smem:$0x3FB6] =	sst s0;
	s0 =	simm.s32 @!p1 $0x0  }
0x14: {  	s2 =	sld [smem:$0x3F9A];
	s0 =	simm.s32 @p1 $0x1  }
0x15: {  	[smem:$0x3FB7] =	sst s0;
	s0 =	simm.s32 @!p2 $0x0  }
0x16: {  	s3 =	sld [smem:$0x3FDB];
	s0 =	simm.s32 @p2 $0x1  }
0x17: {  	s4 =	simm.s32 $0x1BF5;
	[smem:$0x3FB9] =	sst s0  }
0x18: {  	s0 =	sld [smem:$0x3F9C];
	_ =	swait.ge [sflag:s4], $0x0  }
0x19: {  	s7 =	sld [smem:$0x3F9D]  }
0x1a: {  	s8 =	sadd.s32 $0xFFFFE003, lr  }
0x1b: {  	s9 =	sadd.s32 $0xFFFFFEF7, lr;
	s5 =	simm.s32 $0xFFFFFFFF;
	p2 =	slt.u32 s8, $0xFFFFF086  }
0x1c: {  	p1 =	slt.u32 s9, $0xF7A;
	s5 =	simm.s32 @!p2 $0x0  }
0x1d: {  	s5 =	simm.s32 @p1 $0x1;
	p0 =	seq.s32 s7, s2  }
0x1e: {  	s7 =	smul.u32 @!p0 $0xF7A, s2;
	p2 =	seq.s32 @!p0 s5, $0x0  }
0x1f: {  	s9 =	smul.u32 $0xF7A, s1;
	s8 =	simm.s32 @!p0 $0x1BF5;
	p2 =	por !p2, p0  }
0x20: {  	[sflag:s8] =	ssyncset.s32 @!p0 $0xFFFFF086;
	s6 =	sadd.s32 @!p0 s3, s7;
	s7 =	simm.s32 @!p0 $0x108  }
0x21: {  	s3 =	sadd.s32 s3, s9;
	s6 =	sadd.s32 @!p0 $0x88, s6;
	s7 =	simm.s32 @p2 $0x1082  }
0x22: {  	[simem:s7], [sflag:s8] =	dma.local @!p0 [hbm:s6], $0xF7A  }
0x23: {  	s9 =	sor.u32 $0xD0000000, s2;
	s6 =	simm.s32 $0x108;
	_ =	swait.ge @!p0 [sflag:s8], $0x0  }
0x24: {  	s3 =	sadd.s32 $0x88, s3;
	s6 =	simm.s32 @!p1 $0x1082;
	[sflag:s4] =	ssyncset.s32 $0xFFFFF086  }
0x25: {  	[simem:s6], [sflag:s4] =	dma.local [hbm:s3], $0xF7A  }
0x26: {  	[smem:$0x3F9D] =	sst s1;
	(tag) =	ssettag s2;
	_ =	strace s9  }
0x27: {  	s1 =	sld [smem:$0x3FAD]  }
0x28: {  	s2 =	sld [smem:$0x3FAE]  }
0x29: {  	s4 =	sld [smem:$0x3FB0]  }
0x2a: {  	p0 =	seq.s32 s5, $0x0;
	s5 =	sld [smem:$0x3FB1]  }
0x2b: {  	s6 =	sld [smem:$0x3FB2]  }
0x2c: {  	s7 =	sld [smem:$0x3FB3]  }
0x2d: {  	s3 =	simm.s32 $0x108;
	s8 =	sld [smem:$0x3FB4]  }
0x2e: {  	s3 =	simm.s32 @!p0 $0x1082;
	s9 =	sld [smem:$0x3FB5]  }
0x2f: {  	lr =	sadd.s32 s0, s3;
	s0 =	sld [smem:$0x3FAC]  }
0x30: {  	s3 =	sld [smem:$0x3FAF]  }
0x31: {  	[smem:$0x3FB8] =	sst s10  }
0x32: {  	s10 =	sld [smem:$0x3FB6];
	_ =	sdelay $0x3  }
0x33: {  	p0 =	seq.s32 s10, $0x1;
	s10 =	sld [smem:$0x3FB8];
	_ =	sdelay $0x3  }
0x34: {  	[smem:$0x3FB8] =	sst s10  }
0x35: {  	s10 =	sld [smem:$0x3FB7];
	_ =	sdelay $0x3  }
0x36: {  	p1 =	seq.s32 s10, $0x1;
	s10 =	sld [smem:$0x3FB8];
	_ =	sdelay $0x3  }
0x37: {  	[smem:$0x3FB8] =	sst s10  }
0x38: {  	s10 =	sld [smem:$0x3FB9]  }
0x39: {  	_ = 	snop;
	(pc) =	sbr.ind lr, $3  }
0x3a: {  	_ = 	snop  }
0x3b: {  	_ = 	snop  }
0x3c: {  	p2 =	seq.s32 s10, $0x1;
	s10 =	sld [smem:$0x3FB8]  }
0x3d: {  	_ =	shalt  }
0x3e: {  	_ =	shalt  }
0x3f: {  	_ =	shalt  }
0x40: {  	_ =	shalt  }
0x41: {  	_ =	shalt  }
0x42: {  	_ =	shalt  }
0x43: {  	_ =	shalt  }
0x44: {  	_ =	shalt  }
0x45: {  	_ =	shalt  }
0x46: {  	_ =	shalt  }
0x47: {  	_ =	shalt  }
0x48: {  	_ =	shalt  }
0x49: {  	_ =	shalt  }
0x4a: {  	_ =	shalt  }
0x4b: {  	_ =	shalt  }
0x4c: {  	_ =	shalt  }
0x4d: {  	_ =	shalt  }
0x4e: {  	_ =	shalt  }
0x4f: {  	_ =	shalt  }
0x50: {  	_ =	shalt  }
0x51: {  	_ =	shalt  }
0x52: {  	_ =	shalt  }
0x53: {  	_ =	shalt  }
0x54: {  	_ =	shalt  }
0x55: {  	_ =	shalt  }
0x56: {  	_ =	shalt  }
0x57: {  	_ =	shalt  }
0x58: {  	_ =	shalt  }
0x59: {  	_ =	shalt  }
0x5a: {  	_ =	shalt  }
0x5b: {  	_ =	shalt  }
0x5c: {  	_ =	shalt  }
0x5d: {  	_ =	shalt  }
0x5e: {  	_ =	shalt  }
0x5f: {  	_ =	shalt  }
0x60: {  	_ =	shalt  }
0x61: {  	_ =	shalt  }
0x62: {  	_ =	shalt  }
0x63: {  	_ =	shalt  }
0x64: {  	_ =	shalt  }
0x65: {  	_ =	shalt  }
0x66: {  	_ =	shalt  }
0x67: {  	_ =	shalt  }
0x68: {  	_ =	shalt  }
0x69: {  	_ =	shalt  }
0x6a: {  	_ =	shalt  }
0x6b: {  	_ =	shalt  }
0x6c: {  	_ =	shalt  }
0x6d: {  	_ =	shalt  }
0x6e: {  	_ =	shalt  }
0x6f: {  	_ =	shalt  }
0x70: {  	_ =	shalt  }
0x71: {  	_ =	shalt  }
0x72: {  	_ =	shalt  }
0x73: {  	_ =	shalt  }
0x74: {  	_ =	shalt  }
0x75: {  	_ =	shalt  }
0x76: {  	_ =	shalt  }
0x77: {  	_ =	shalt  }
0x78: {  	_ =	shalt  }
0x79: {  	_ =	shalt  }
0x7a: {  	_ =	shalt  }
0x7b: {  	_ =	shalt  }
0x7c: {  	_ =	shalt  }
0x7d: {  	_ =	shalt  }
0x7e: {  	_ =	shalt  }
0x7f: {  	_ =	shalt  }
0x80: {  	_ =	shalt  }
0x81: {  	_ =	shalt  }
0x82: {  	_ =	shalt  }
0x83: {  	_ =	shalt  }
0x84: {  	_ =	shalt  }
0x85: {  	_ =	shalt  }
0x86: {  	_ =	shalt  }
0x87: {  	_ =	shalt  }
.Lfunc_end0:
.L_simem_size_0:
called_computation_lowered:
.L_overlay_start_0:
0x88: {  	s2 =	sld [smem:$0x3FD9]  }
0x89: {  	s3 =	sld [smem:$0x3FFE];
	_ =	sdelay $0x1  }
0x8a: {  	s1 =	srdreg.scid  }
0x8b: {  	s0 =	sand.u32 $0x1, s1  }
0x8c: {  	s17 =	sshll.u32 s0, $0xA;
	s2 =	sadd.s32 s3, s2  }
0x8d: {  	s2 =	sadd.s32 s2, s17  }
0x8e: {  	[smem:$0x3FC4] =	sst s2  }
0x8f: {  	_ = 	snop  }
0x90: {  	s2 =	sld [smem:$0x3FD0];
	(tm) =	ssettm $0x1  }
0x91: {  	s18 =	sld [smem:$0x3FFB];
	_ =	sdelay $0x3  }
0x92: {  	_ =	strace s18  }
0x93: {  	s3 =	sld [smem:$0x3FFC];
	_ =	sdelay $0x3  }
0x94: {  	_ =	strace s3  }
0x95: {  	s3 =	sld [smem:$0x3FFD];
	_ =	sdelay $0x3  }
0x96: {  	_ =	strace s3  }
0x97: {  	_ =	strace $0x8FFFFFFF  }
0x98: {  	s19 =	sld [smem:$0x3FDB];
	_ =	sdelay $0x1  }
0x99: {  	s4 =	simm.s32 $_scs_section_size  }
0x9a: {  	s5 =	simm.s32 $_size__tile_overlayer_lowered;
	s6 =	simm.s32 $_tile_overlayer_lowered  }
0x9b: {  	s22 =	simm.s32 $0x1BFF;
	s21 =	sshll.u32 s6, $0x1;
	s3 =	sadd.s32 s4, s19  }
0x9c: {  	s7 =	simm.s32 $0x0;
	s20 =	sshll.u32 s5, $0x1;
	s5 =	sadd.s32 s21, s3  }
0x9d: {  	[timem:s7], [sflag:s22] =	dma.local [hbm:s5], s20  }
0x9e: {  	_ =	swait.ge [sflag:s22], s20  }
0x9f: {  	s4 =	ssub.s32 $0x0, s20;
	[sflag:s22] =	ssyncset.done $0x0  }
0xa0: {  	[sflag:s22] =	ssyncadd.s32 s4;
	_ =	sdelay $0x1  }
0xa1: {  	s23 =	simm.s32 $0x1B8B  }
0xa2: {  	_ =	swait.ge [sflag:s23], $0x1  }
0xa3: {  	[sflag:s23] =	ssyncset.done $0x0  }
0xa4: {  	s25 =	simm.s32 $0x1B8E;
	s24 =	sld [smem:$0x3FFE];
	[sflag:s23] =	ssyncadd.s32 $0xFFFFFFFF  }
0xa5: {  	s26 =	simm.s32 $execute0_lowered;
	[smem:$0x3FD2] =	sst s25  }
0xa6: {  	s5 =	sshll.u32 s26, $0x1;
	_ =	strace $0x80000046;
	[dreg:$0x1] =	wrdreg $0xFFFFFFFF  }
0xa7: {  	s28 =	simm.s32 $_size_execute0_lowered;
	s3 =	sadd.s32 s3, s5;
	[dreg:$0x0] =	wrdreg $0x0  }
0xa8: {  	s5 =	sshll.u32 s28, $0x1;
	[dreg:$0x2] =	wrdreg s3  }
0xa9: {  	[dreg:$0x3] =	wrdreg s5  }
0xaa: {  	[dreg:$0x4] =	wrdreg $0xC0  }
0xab: {  	_ =	task [dreg:s7], $0x5FFFF  }
0xac: {  	[dreg:$0x1] =	wrdreg $0xFFFFFFFF  }
0xad: {  	[dreg:$0x0] =	wrdreg $0x60  }
0xae: {  	[dreg:$0x2] =	wrdreg s2  }
0xaf: {  	[dreg:$0x3] =	wrdreg s24  }
0xb0: {  	[dreg:$0x4] =	wrdreg $0x3C800  }
0xb1: {  	[dreg:$0x5] =	wrdreg $0x9  }
0xb2: {  	_ =	task.clear_ibuf [dreg:s7], $0x6FFFF;
	_ =	strace $0x90000046  }
0xb3: {  	s29 =	simm.s32 $0x9;
	_ =	strace $0x80000048  }
0xb4: {  	_ =	swait.ge [sflag:s29], $0x1  }
0xb5: {  	[sflag:s29] =	ssyncadd.s32 $0xFFFFFFFF  }
0xb6: {  	_ =	strace $0x90000048  }
0xb7: {  	_ =	sfence  }
0xb8: {  	s30 =	sld [smem:$0x0];
	_ =	sdelay $0x2  }
0xb9: {  	s31 =	sshll.u32 s1, $0xD;
	s1 =	sshrl.u32 s1, $0x2  }
0xba: {  	s3 =	sand.u32 $0x4000, s31;
	s1 =	sadd.s32 s1, s30  }
0xbb: {  	s0 =	sor.u32 s3, s0;
	s1 =	sshll.u32 s1, $0x11  }
0xbc: {  	s0 =	sor.u32 s1, s0  }
0xbd: {  	s0 =	sadd.s32 $0x8F2B, s0  }
0xbe: {  	[sflag:s0] =	ssyncadd.remote.s32 $0x1  }
0xbf: {  	_ =	sfence.sel $0xFFFF  }
0xc0: {  	[dreg:$0x0] =	wrdreg $0xFFFFFFFF;
	(pc) =	sbr.abs _section_cstart, $3  }
0xc1: {  	[dreg:$0x1] =	wrdreg $0xFFFFFFFF  }
0xc2: {  	_ =	task.clear_ibuf [dreg:s7], $0x2FFFF;
	_ =	strace $0x9FFFFFFF  }
0xc3: {  	(tm) =	ssettm $0x7FFFFFFF  }
tec
execute0_lowered:
.L_overlay_start_1:
0x0: {  	(tag) =	ssettag $0x1  }
0x1: {  	s6 =	rddreg [dreg:$0x0]  }
0x2: {  	s7 =	rddreg [dreg:$0x1]  }
0x3: {  	s2 =	rddreg [dreg:$0x2]  }
0x4: {  	s0 =	rddreg [dreg:$0x3]  }
0x5: {  	s4 =	srdreg.scid;
	s1 =	stileid.u32  }
0x6: {  	s3 =	simm.s32 $0x0;
	s13 =	simm.s32 $0xC00;
	s14 =	simm.s32 $0x1800  }
0x7: {  	s15 =	simm.s32 $0x2400;
	s16 =	simm.s32 $0x3000;
	s17 =	simm.s32 $0x1  }
0x8: {  	s18 =	simm.s32 $0x3C00;
	s21 =	simm.s32 $0x64;
	s22 =	simm.s32 $0x0  }
0x9: {  	s5 =	sand.u32 $0x1, s4;
	s8 =	smul.u32 $0x280, s1;
	[smem:$0x7FF] =	sst s3  }
0xa: {  	s4 =	sadd.s32 $0x1800, s7;
	s19 =	sshll.u32 s1, $0x6;
	s9 =	smul.u32 $0x2800, s5  }
0xb: {  	s10 =	sshll.u32 s5, $0x4;
	_ =	strace $0x80000047;
	s11 =	ssub.s32 $0x2, s5  }
0xc: {  	s5 =	sadd.s32 $0x1A00, s7;
	s19 =	sor.u32 $0x1C01, s19;
	s10 =	sor.u32 s1, s10  }
0xd: {  	s12 =	sshrl.u32 s11, $0x1;
	s9 =	sadd.s32 s8, s9;
	s10 =	smul.u32 $0x780, s10  }
0xe: {  	s20 =	sadd.s32 s8, s2;
	s31 =	ssub.s32 s11, s12;
	s9 =	sshrl.u32 s9, $0x3  }
0xf: {  	s20 =	sshrl.u32 s20, $0x3;
	s7 =	sadd.s32 s9, s7;
	s6 =	sadd.s32 s6, s10  }
0x10: {  	s8 =	smax.u32 s31, $0x1;
	s7 =	sadd.s32 $0x1C00, s7;
	s9 =	sadd.s32 $0x180, s6  }
0x11: {  	s10 =	sadd.s32 $0x300, s6;
	s11 =	sadd.s32 $0x480, s6;
	s12 =	sadd.s32 $0x600, s6  }
.LBB2_1:
0x12: {  	[tilespmem:s3], [sflag:$0x1] =	stream.linear.gather [hbm4b:s6+s3], $0xA00, $0x38;
	[tilespmem:$0x3F00] =	vst v63  }
0x13: {  	_ = 	snop  }
0x14: {  	[tilespmem:s13], [sflag:$0x1] =	stream.linear.gather [hbm4b:s9+s3], $0xA00, $0x38;
	[tilespmem:$0x3F00] =	vst v63  }
0x15: {  	_ = 	snop  }
0x16: {  	[tilespmem:s14], [sflag:$0x1] =	stream.linear.gather [hbm4b:s10+s3], $0xA00, $0x38;
	[tilespmem:$0x3F00] =	vst v63  }
0x17: {  	_ = 	snop  }
0x18: {  	[tilespmem:s15], [sflag:$0x1] =	stream.linear.gather [hbm4b:s11+s3], $0xA00, $0x38;
	[tilespmem:$0x3F00] =	vst v63  }
0x19: {  	_ = 	snop  }
0x1a: {  	[tilespmem:s16], [sflag:$0x1] =	stream.linear.gather [hbm4b:s12+s3], $0xA00, $0x38;
	[tilespmem:$0x3F00] =	vst v63  }
0x1b: {  	_ =	swait.ge [sflag:s17], $0x3200  }
0x1c: {  	[sflag:s17] =	ssyncset.done $0x0  }
0x1d: {  	[sflag:s17] =	ssyncadd.s32 $0xFFFFCE00  }
0x1e: {  	[tilespmem:s18], [sflag:$0x1] =	stream.linear.gather [hbm4b:s4+s3], $0x80, $0x38;
	[tilespmem:$0x3F00] =	vst v63  }
0x1f: {  	_ =	swait.ge [sflag:s17], $0x80  }
0x20: {  	[sflag:s17] =	ssyncset.done $0x0  }
0x21: {  	[sflag:s17] =	ssyncadd.s32 $0xFFFFFF80  }
0x22: {  	[spmem:s20], [sflag:s19] =	dma.local [hbm:s5], $0x50  }
0x23: {  	_ =	swait.ge [sflag:s17], $0x50  }
0x24: {  	[sflag:s17] =	ssyncset.done $0x0  }
0x25: {  	[sflag:s17] =	ssyncadd.s32 $0xFFFFFFB0  }
0x26: {  	s23 =	simm.s32 $0x0;
	[bflag:$0x0] =	sbarrier.arrive $0xFFFF  }
0x27: {  	[spmem:s2] =	stream.indirect.scatter.add.f32 [tilespmem:s18], [sflag:$0x1], $0x1, s23, s21, $0xb8;
	[tilespmem:$0x3F00] =	vst v63  }
0x28: {  	_ =	swait.ge [sflag:s17], $0x64  }
0x29: {  	[sflag:s17] =	ssyncset.done $0x0  }
0x2a: {  	s26 =	simm.s32 $0x80;
	[sflag:s17] =	ssyncadd.s32 $0xFFFFFF9C  }
0x2b: {  	[spmem:s2] =	stream.indirect.scatter.add.f32 [tilespmem:s18], [sflag:$0x1], $0x1, s26, s21, $0xb8;
	[tilespmem:$0x3F00] =	vst v63  }
0x2c: {  	_ =	swait.ge [sflag:s17], $0x64  }
0x2d: {  	[sflag:s17] =	ssyncset.done $0x0  }
0x2e: {  	s28 =	simm.s32 $0x100;
	[sflag:s17] =	ssyncadd.s32 $0xFFFFFF9C  }
0x2f: {  	[spmem:s2] =	stream.indirect.scatter.add.f32 [tilespmem:s18], [sflag:$0x1], $0x1, s28, s21, $0xb8;
	[tilespmem:$0x3F00] =	vst v63  }
0x30: {  	_ =	swait.ge [sflag:s17], $0x64  }
0x31: {  	[sflag:s17] =	ssyncset.done $0x0  }
0x32: {  	s29 =	simm.s32 $0x180;
	[sflag:s17] =	ssyncadd.s32 $0xFFFFFF9C  }
0x33: {  	[spmem:s2] =	stream.indirect.scatter.add.f32 [tilespmem:s18], [sflag:$0x1], $0x1, s29, s21, $0xb8;
	[tilespmem:$0x3F00] =	vst v63  }
0x34: {  	_ =	swait.ge [sflag:s17], $0x64  }
0x35: {  	[sflag:s17] =	ssyncset.done $0x0  }
0x36: {  	s30 =	simm.s32 $0x200;
	[sflag:s17] =	ssyncadd.s32 $0xFFFFFF9C  }
0x37: {  	[spmem:s2] =	stream.indirect.scatter.add.f32 [tilespmem:s18], [sflag:$0x1], $0x1, s30, s21, $0xb8;
	[tilespmem:$0x3F00] =	vst v63  }
0x38: {  	_ =	swait.ge [sflag:s17], $0x64  }
0x39: {  	[sflag:s17] =	ssyncset.done $0x0  }
0x3a: {  	s31 =	simm.s32 $0x280;
	[sflag:s17] =	ssyncadd.s32 $0xFFFFFF9C  }
0x3b: {  	[spmem:s2] =	stream.indirect.scatter.add.f32 [tilespmem:s18], [sflag:$0x1], $0x1, s31, s21, $0xb8;
	[tilespmem:$0x3F00] =	vst v63  }
0x3c: {  	_ =	swait.ge [sflag:s17], $0x64  }
0x3d: {  	[sflag:s17] =	ssyncset.done $0x0  }
0x3e: {  	s24 =	simm.s32 $0x300;
	[sflag:s17] =	ssyncadd.s32 $0xFFFFFF9C  }
0x3f: {  	[spmem:s2] =	stream.indirect.scatter.add.f32 [tilespmem:s18], [sflag:$0x1], $0x1, s24, s21, $0xb8;
	[tilespmem:$0x3F00] =	vst v63  }
0x40: {  	_ =	swait.ge [sflag:s17], $0x64  }
0x41: {  	[sflag:s17] =	ssyncset.done $0x0  }
0x42: {  	s25 =	simm.s32 $0x380;
	[sflag:s17] =	ssyncadd.s32 $0xFFFFFF9C  }
0x43: {  	[spmem:s2] =	stream.indirect.scatter.add.f32 [tilespmem:s18], [sflag:$0x1], $0x1, s25, s21, $0xb8;
	[tilespmem:$0x3F00] =	vst v63  }
0x44: {  	_ =	swait.ge [sflag:s17], $0x64  }
0x45: {  	[sflag:s17] =	ssyncset.done $0x0  }
0x46: {  	s26 =	simm.s32 $0x400;
	[sflag:s17] =	ssyncadd.s32 $0xFFFFFF9C  }
0x47: {  	[spmem:s2] =	stream.indirect.scatter.add.f32 [tilespmem:s18], [sflag:$0x1], $0x1, s26, s21, $0xb8;
	[tilespmem:$0x3F00] =	vst v63  }
0x48: {  	_ =	swait.ge [sflag:s17], $0x64  }
0x49: {  	[sflag:s17] =	ssyncset.done $0x0  }
0x4a: {  	s28 =	simm.s32 $0x480;
	[sflag:s17] =	ssyncadd.s32 $0xFFFFFF9C  }
0x4b: {  	[spmem:s2] =	stream.indirect.scatter.add.f32 [tilespmem:s18], [sflag:$0x1], $0x1, s28, s21, $0xb8;
	[tilespmem:$0x3F00] =	vst v63  }
0x4c: {  	_ =	swait.ge [sflag:s17], $0x64  }
0x4d: {  	[sflag:s17] =	ssyncset.done $0x0  }
0x4e: {  	s29 =	simm.s32 $0x500;
	[sflag:s17] =	ssyncadd.s32 $0xFFFFFF9C  }
0x4f: {  	[spmem:s2] =	stream.indirect.scatter.add.f32 [tilespmem:s18], [sflag:$0x1], $0x1, s29, s21, $0xb8;
	[tilespmem:$0x3F00] =	vst v63  }
0x50: {  	_ =	swait.ge [sflag:s17], $0x64  }
0x51: {  	[sflag:s17] =	ssyncset.done $0x0  }
0x52: {  	s30 =	simm.s32 $0x580;
	[sflag:s17] =	ssyncadd.s32 $0xFFFFFF9C  }
0x53: {  	[spmem:s2] =	stream.indirect.scatter.add.f32 [tilespmem:s18], [sflag:$0x1], $0x1, s30, s21, $0xb8;
	[tilespmem:$0x3F00] =	vst v63  }
0x54: {  	_ =	swait.ge [sflag:s17], $0x64  }
0x55: {  	[sflag:s17] =	ssyncset.done $0x0  }
0x56: {  	s31 =	simm.s32 $0x600;
	[sflag:s17] =	ssyncadd.s32 $0xFFFFFF9C  }
0x57: {  	[spmem:s2] =	stream.indirect.scatter.add.f32 [tilespmem:s18], [sflag:$0x1], $0x1, s31, s21, $0xb8;
	[tilespmem:$0x3F00] =	vst v63  }
0x58: {  	_ =	swait.ge [sflag:s17], $0x64  }
0x59: {  	[sflag:s17] =	ssyncset.done $0x0  }
0x5a: {  	s24 =	simm.s32 $0x680;
	[sflag:s17] =	ssyncadd.s32 $0xFFFFFF9C  }
0x5b: {  	[spmem:s2] =	stream.indirect.scatter.add.f32 [tilespmem:s18], [sflag:$0x1], $0x1, s24, s21, $0xb8;
	[tilespmem:$0x3F00] =	vst v63  }
0x5c: {  	_ =	swait.ge [sflag:s17], $0x64  }
0x5d: {  	[sflag:s17] =	ssyncset.done $0x0  }
0x5e: {  	s25 =	simm.s32 $0x700;
	[sflag:s17] =	ssyncadd.s32 $0xFFFFFF9C  }
0x5f: {  	[spmem:s2] =	stream.indirect.scatter.add.f32 [tilespmem:s18], [sflag:$0x1], $0x1, s25, s21, $0xb8;
	[tilespmem:$0x3F00] =	vst v63  }
0x60: {  	_ =	swait.ge [sflag:s17], $0x64  }
0x61: {  	[sflag:s17] =	ssyncset.done $0x0  }
0x62: {  	s26 =	simm.s32 $0x780;
	[sflag:s17] =	ssyncadd.s32 $0xFFFFFF9C  }
0x63: {  	[spmem:s2] =	stream.indirect.scatter.add.f32 [tilespmem:s18], [sflag:$0x1], $0x1, s26, s21, $0xb8;
	[tilespmem:$0x3F00] =	vst v63  }
0x64: {  	_ =	swait.ge [sflag:s17], $0x64  }
0x65: {  	[sflag:s17] =	ssyncset.done $0x0  }
0x66: {  	s28 =	simm.s32 $0x800;
	[sflag:s17] =	ssyncadd.s32 $0xFFFFFF9C  }
0x67: {  	[spmem:s2] =	stream.indirect.scatter.add.f32 [tilespmem:s18], [sflag:$0x1], $0x1, s28, s21, $0xb8;
	[tilespmem:$0x3F00] =	vst v63  }
0x68: {  	_ =	swait.ge [sflag:s17], $0x64  }
0x69: {  	[sflag:s17] =	ssyncset.done $0x0  }
0x6a: {  	s29 =	simm.s32 $0x880;
	[sflag:s17] =	ssyncadd.s32 $0xFFFFFF9C  }
0x6b: {  	[spmem:s2] =	stream.indirect.scatter.add.f32 [tilespmem:s18], [sflag:$0x1], $0x1, s29, s21, $0xb8;
	[tilespmem:$0x3F00] =	vst v63  }
0x6c: {  	_ =	swait.ge [sflag:s17], $0x64  }
0x6d: {  	[sflag:s17] =	ssyncset.done $0x0  }
0x6e: {  	s30 =	simm.s32 $0x900;
	[sflag:s17] =	ssyncadd.s32 $0xFFFFFF9C  }
0x6f: {  	[spmem:s2] =	stream.indirect.scatter.add.f32 [tilespmem:s18], [sflag:$0x1], $0x1, s30, s21, $0xb8;
	[tilespmem:$0x3F00] =	vst v63  }
0x70: {  	_ =	swait.ge [sflag:s17], $0x64  }
0x71: {  	[sflag:s17] =	ssyncset.done $0x0  }
0x72: {  	s31 =	simm.s32 $0x980;
	[sflag:s17] =	ssyncadd.s32 $0xFFFFFF9C  }
0x73: {  	[spmem:s2] =	stream.indirect.scatter.add.f32 [tilespmem:s18], [sflag:$0x1], $0x1, s31, s21, $0xb8;
	[tilespmem:$0x3F00] =	vst v63  }
0x74: {  	_ =	swait.ge [sflag:s17], $0x64  }
0x75: {  	s23 =	simm.s32 $0x3000;
	s26 =	simm.s32 $0x6000;
	[sflag:s17] =	ssyncset.done $0x0  }
.LBB2_2:
0x76: {  	s25 =	sshra.s32 s23, $0x2  }
0x77: {  	[sflag:s17] =	ssyncadd.s32 $0xFFFFFF9C;
	s23 =	smov.u32 s26;
	s24 =	sadd.s32 $0x3000, s26  }
0x78: {  	[spmem:s2] =	stream.indirect.scatter.add.f32 [tilespmem:s18], [sflag:$0x1], $0x1, s25, s21, $0xb8;
	[tilespmem:$0x3F00] =	vst v63  }
0x79: {  	p0 =	sne.s32 s26, $0xC000;
	_ =	swait.ge [sflag:s17], $0x64  }
0x7a: {  	[sflag:s17] =	ssyncset.done $0x0  }
0x7b: {  	s26 =	sadd.s32 $0x80, s25;
	[sflag:s17] =	ssyncadd.s32 $0xFFFFFF9C  }
0x7c: {  	[spmem:s2] =	stream.indirect.scatter.add.f32 [tilespmem:s18], [sflag:$0x1], $0x1, s26, s21, $0xb8;
	[tilespmem:$0x3F00] =	vst v63  }
0x7d: {  	_ =	swait.ge [sflag:s17], $0x64  }
0x7e: {  	[sflag:s17] =	ssyncset.done $0x0  }
0x7f: {  	s26 =	sadd.s32 $0x100, s25;
	[sflag:s17] =	ssyncadd.s32 $0xFFFFFF9C  }
0x80: {  	[spmem:s2] =	stream.indirect.scatter.add.f32 [tilespmem:s18], [sflag:$0x1], $0x1, s26, s21, $0xb8;
	[tilespmem:$0x3F00] =	vst v63  }
0x81: {  	_ =	swait.ge [sflag:s17], $0x64  }
0x82: {  	[sflag:s17] =	ssyncset.done $0x0  }
0x83: {  	s26 =	sadd.s32 $0x180, s25;
	[sflag:s17] =	ssyncadd.s32 $0xFFFFFF9C  }
0x84: {  	[spmem:s2] =	stream.indirect.scatter.add.f32 [tilespmem:s18], [sflag:$0x1], $0x1, s26, s21, $0xb8;
	[tilespmem:$0x3F00] =	vst v63  }
0x85: {  	_ =	swait.ge [sflag:s17], $0x64  }
0x86: {  	[sflag:s17] =	ssyncset.done $0x0  }
0x87: {  	s26 =	sadd.s32 $0x200, s25;
	[sflag:s17] =	ssyncadd.s32 $0xFFFFFF9C  }
0x88: {  	[spmem:s2] =	stream.indirect.scatter.add.f32 [tilespmem:s18], [sflag:$0x1], $0x1, s26, s21, $0xb8;
	[tilespmem:$0x3F00] =	vst v63  }
0x89: {  	_ =	swait.ge [sflag:s17], $0x64  }
0x8a: {  	[sflag:s17] =	ssyncset.done $0x0  }
0x8b: {  	s26 =	sadd.s32 $0x280, s25;
	[sflag:s17] =	ssyncadd.s32 $0xFFFFFF9C  }
0x8c: {  	[spmem:s2] =	stream.indirect.scatter.add.f32 [tilespmem:s18], [sflag:$0x1], $0x1, s26, s21, $0xb8;
	[tilespmem:$0x3F00] =	vst v63  }
0x8d: {  	_ =	swait.ge [sflag:s17], $0x64  }
0x8e: {  	[sflag:s17] =	ssyncset.done $0x0  }
0x8f: {  	s26 =	sadd.s32 $0x300, s25;
	[sflag:s17] =	ssyncadd.s32 $0xFFFFFF9C  }
0x90: {  	[spmem:s2] =	stream.indirect.scatter.add.f32 [tilespmem:s18], [sflag:$0x1], $0x1, s26, s21, $0xb8;
	[tilespmem:$0x3F00] =	vst v63  }
0x91: {  	_ =	swait.ge [sflag:s17], $0x64  }
0x92: {  	[sflag:s17] =	ssyncset.done $0x0  }
0x93: {  	s26 =	sadd.s32 $0x380, s25;
	[sflag:s17] =	ssyncadd.s32 $0xFFFFFF9C  }
0x94: {  	[spmem:s2] =	stream.indirect.scatter.add.f32 [tilespmem:s18], [sflag:$0x1], $0x1, s26, s21, $0xb8;
	[tilespmem:$0x3F00] =	vst v63  }
0x95: {  	_ =	swait.ge [sflag:s17], $0x64  }
0x96: {  	[sflag:s17] =	ssyncset.done $0x0  }
0x97: {  	s26 =	sadd.s32 $0x400, s25;
	[sflag:s17] =	ssyncadd.s32 $0xFFFFFF9C  }
0x98: {  	[spmem:s2] =	stream.indirect.scatter.add.f32 [tilespmem:s18], [sflag:$0x1], $0x1, s26, s21, $0xb8;
	[tilespmem:$0x3F00] =	vst v63  }
0x99: {  	_ =	swait.ge [sflag:s17], $0x64  }
0x9a: {  	[sflag:s17] =	ssyncset.done $0x0  }
0x9b: {  	s26 =	sadd.s32 $0x480, s25;
	[sflag:s17] =	ssyncadd.s32 $0xFFFFFF9C  }
0x9c: {  	[spmem:s2] =	stream.indirect.scatter.add.f32 [tilespmem:s18], [sflag:$0x1], $0x1, s26, s21, $0xb8;
	[tilespmem:$0x3F00] =	vst v63  }
0x9d: {  	_ =	swait.ge [sflag:s17], $0x64  }
0x9e: {  	[sflag:s17] =	ssyncset.done $0x0  }
0x9f: {  	s26 =	sadd.s32 $0x500, s25;
	[sflag:s17] =	ssyncadd.s32 $0xFFFFFF9C  }
0xa0: {  	[spmem:s2] =	stream.indirect.scatter.add.f32 [tilespmem:s18], [sflag:$0x1], $0x1, s26, s21, $0xb8;
	[tilespmem:$0x3F00] =	vst v63  }
0xa1: {  	_ =	swait.ge [sflag:s17], $0x64  }
0xa2: {  	[sflag:s17] =	ssyncset.done $0x0  }
0xa3: {  	s26 =	sadd.s32 $0x580, s25;
	[sflag:s17] =	ssyncadd.s32 $0xFFFFFF9C  }
0xa4: {  	[spmem:s2] =	stream.indirect.scatter.add.f32 [tilespmem:s18], [sflag:$0x1], $0x1, s26, s21, $0xb8;
	[tilespmem:$0x3F00] =	vst v63  }
0xa5: {  	_ =	swait.ge [sflag:s17], $0x64  }
0xa6: {  	[sflag:s17] =	ssyncset.done $0x0  }
0xa7: {  	s26 =	sadd.s32 $0x600, s25;
	[sflag:s17] =	ssyncadd.s32 $0xFFFFFF9C  }
0xa8: {  	[spmem:s2] =	stream.indirect.scatter.add.f32 [tilespmem:s18], [sflag:$0x1], $0x1, s26, s21, $0xb8;
	[tilespmem:$0x3F00] =	vst v63  }
0xa9: {  	_ =	swait.ge [sflag:s17], $0x64  }
0xaa: {  	[sflag:s17] =	ssyncset.done $0x0  }
0xab: {  	s26 =	sadd.s32 $0x680, s25;
	[sflag:s17] =	ssyncadd.s32 $0xFFFFFF9C  }
0xac: {  	[spmem:s2] =	stream.indirect.scatter.add.f32 [tilespmem:s18], [sflag:$0x1], $0x1, s26, s21, $0xb8;
	[tilespmem:$0x3F00] =	vst v63  }
0xad: {  	_ =	swait.ge [sflag:s17], $0x64  }
0xae: {  	[sflag:s17] =	ssyncset.done $0x0  }
0xaf: {  	s26 =	sadd.s32 $0x700, s25;
	[sflag:s17] =	ssyncadd.s32 $0xFFFFFF9C  }
0xb0: {  	[spmem:s2] =	stream.indirect.scatter.add.f32 [tilespmem:s18], [sflag:$0x1], $0x1, s26, s21, $0xb8;
	[tilespmem:$0x3F00] =	vst v63  }
0xb1: {  	_ =	swait.ge [sflag:s17], $0x64  }
0xb2: {  	[sflag:s17] =	ssyncset.done $0x0  }
0xb3: {  	s26 =	sadd.s32 $0x780, s25;
	[sflag:s17] =	ssyncadd.s32 $0xFFFFFF9C  }
0xb4: {  	[spmem:s2] =	stream.indirect.scatter.add.f32 [tilespmem:s18], [sflag:$0x1], $0x1, s26, s21, $0xb8;
	[tilespmem:$0x3F00] =	vst v63  }
0xb5: {  	_ =	swait.ge [sflag:s17], $0x64  }
0xb6: {  	[sflag:s17] =	ssyncset.done $0x0  }
0xb7: {  	s26 =	sadd.s32 $0x800, s25;
	[sflag:s17] =	ssyncadd.s32 $0xFFFFFF9C  }
0xb8: {  	[spmem:s2] =	stream.indirect.scatter.add.f32 [tilespmem:s18], [sflag:$0x1], $0x1, s26, s21, $0xb8;
	[tilespmem:$0x3F00] =	vst v63  }
0xb9: {  	_ =	swait.ge [sflag:s17], $0x64  }
0xba: {  	[sflag:s17] =	ssyncset.done $0x0  }
0xbb: {  	s26 =	sadd.s32 $0x880, s25;
	[sflag:s17] =	ssyncadd.s32 $0xFFFFFF9C  }
0xbc: {  	[spmem:s2] =	stream.indirect.scatter.add.f32 [tilespmem:s18], [sflag:$0x1], $0x1, s26, s21, $0xb8;
	[tilespmem:$0x3F00] =	vst v63  }
0xbd: {  	_ =	swait.ge [sflag:s17], $0x64  }
0xbe: {  	[sflag:s17] =	ssyncset.done $0x0  }
0xbf: {  	s26 =	sadd.s32 $0x900, s25;
	[sflag:s17] =	ssyncadd.s32 $0xFFFFFF9C  }
0xc0: {  	[spmem:s2] =	stream.indirect.scatter.add.f32 [tilespmem:s18], [sflag:$0x1], $0x1, s26, s21, $0xb8;
	[tilespmem:$0x3F00] =	vst v63  }
0xc1: {  	_ =	swait.ge [sflag:s17], $0x64  }
.Ltmp0:
0xc2: {  	[sflag:s17] =	ssyncset.done $0x0;
	(pc) =	sbr.rel @p0 .LBB2_2-.Ltmp0, $4  }
0xc3: {  	s25 =	sadd.s32 $0x980, s25;
	[sflag:s17] =	ssyncadd.s32 $0xFFFFFF9C  }
0xc4: {  	[spmem:s2] =	stream.indirect.scatter.add.f32 [tilespmem:s18], [sflag:$0x1], $0x1, s25, s21, $0xb8;
	[tilespmem:$0x3F00] =	vst v63  }
0xc5: {  	_ =	swait.ge [sflag:s17], $0x64  }
0xc6: {  	s26 =	smov.u32 s24;
	[sflag:s17] =	ssyncset.done $0x0  }
0xc7: {  	s23 =	sshra.s32 s23, $0x2;
	[sflag:s17] =	ssyncadd.s32 $0xFFFFFF9C  }
0xc8: {  	[spmem:s2] =	stream.indirect.scatter.add.f32 [tilespmem:s18], [sflag:$0x1], $0x1, s23, s21, $0xb8;
	[tilespmem:$0x3F00] =	vst v63  }
0xc9: {  	_ =	swait.ge [sflag:s17], $0x64  }
0xca: {  	[sflag:s17] =	ssyncset.done $0x0  }
0xcb: {  	s24 =	sadd.s32 $0x80, s23;
	[sflag:s17] =	ssyncadd.s32 $0xFFFFFF9C  }
0xcc: {  	[spmem:s2] =	stream.indirect.scatter.add.f32 [tilespmem:s18], [sflag:$0x1], $0x1, s24, s21, $0xb8;
	[tilespmem:$0x3F00] =	vst v63  }
0xcd: {  	_ =	swait.ge [sflag:s17], $0x64  }
0xce: {  	[sflag:s17] =	ssyncset.done $0x0  }
0xcf: {  	s26 =	sadd.s32 $0x100, s23;
	[sflag:s17] =	ssyncadd.s32 $0xFFFFFF9C  }
0xd0: {  	[spmem:s2] =	stream.indirect.scatter.add.f32 [tilespmem:s18], [sflag:$0x1], $0x1, s26, s21, $0xb8;
	[tilespmem:$0x3F00] =	vst v63  }
0xd1: {  	_ =	swait.ge [sflag:s17], $0x64  }
0xd2: {  	[sflag:s17] =	ssyncset.done $0x0  }
0xd3: {  	s28 =	sadd.s32 $0x180, s23;
	[sflag:s17] =	ssyncadd.s32 $0xFFFFFF9C  }
0xd4: {  	[spmem:s2] =	stream.indirect.scatter.add.f32 [tilespmem:s18], [sflag:$0x1], $0x1, s28, s21, $0xb8;
	[tilespmem:$0x3F00] =	vst v63  }
0xd5: {  	_ =	swait.ge [sflag:s17], $0x64  }
0xd6: {  	[sflag:s17] =	ssyncset.done $0x0  }
0xd7: {  	s29 =	sadd.s32 $0x200, s23;
	[sflag:s17] =	ssyncadd.s32 $0xFFFFFF9C  }
0xd8: {  	[spmem:s2] =	stream.indirect.scatter.add.f32 [tilespmem:s18], [sflag:$0x1], $0x1, s29, s21, $0xb8;
	[tilespmem:$0x3F00] =	vst v63  }
0xd9: {  	_ =	swait.ge [sflag:s17], $0x64  }
0xda: {  	[sflag:s17] =	ssyncset.done $0x0  }
0xdb: {  	s30 =	sadd.s32 $0x280, s23;
	[sflag:s17] =	ssyncadd.s32 $0xFFFFFF9C  }
0xdc: {  	[spmem:s2] =	stream.indirect.scatter.add.f32 [tilespmem:s18], [sflag:$0x1], $0x1, s30, s21, $0xb8;
	[tilespmem:$0x3F00] =	vst v63  }
0xdd: {  	_ =	swait.ge [sflag:s17], $0x64  }
0xde: {  	[sflag:s17] =	ssyncset.done $0x0  }
0xdf: {  	s31 =	sadd.s32 $0x300, s23;
	[sflag:s17] =	ssyncadd.s32 $0xFFFFFF9C  }
0xe0: {  	[spmem:s2] =	stream.indirect.scatter.add.f32 [tilespmem:s18], [sflag:$0x1], $0x1, s31, s21, $0xb8;
	[tilespmem:$0x3F00] =	vst v63  }
0xe1: {  	_ =	swait.ge [sflag:s17], $0x64  }
0xe2: {  	[sflag:s17] =	ssyncset.done $0x0  }
0xe3: {  	s25 =	sadd.s32 $0x380, s23;
	[sflag:s17] =	ssyncadd.s32 $0xFFFFFF9C  }
0xe4: {  	[spmem:s2] =	stream.indirect.scatter.add.f32 [tilespmem:s18], [sflag:$0x1], $0x1, s25, s21, $0xb8;
	[tilespmem:$0x3F00] =	vst v63  }
0xe5: {  	_ =	swait.ge [sflag:s17], $0x64  }
0xe6: {  	[sflag:s17] =	ssyncset.done $0x0  }
0xe7: {  	s26 =	sadd.s32 $0x400, s23;
	[sflag:s17] =	ssyncadd.s32 $0xFFFFFF9C  }
0xe8: {  	[spmem:s2] =	stream.indirect.scatter.add.f32 [tilespmem:s18], [sflag:$0x1], $0x1, s26, s21, $0xb8;
	[tilespmem:$0x3F00] =	vst v63  }
0xe9: {  	_ =	swait.ge [sflag:s17], $0x64  }
0xea: {  	[sflag:s17] =	ssyncset.done $0x0  }
0xeb: {  	s28 =	sadd.s32 $0x480, s23;
	[sflag:s17] =	ssyncadd.s32 $0xFFFFFF9C  }
0xec: {  	[spmem:s2] =	stream.indirect.scatter.add.f32 [tilespmem:s18], [sflag:$0x1], $0x1, s28, s21, $0xb8;
	[tilespmem:$0x3F00] =	vst v63  }
0xed: {  	_ =	swait.ge [sflag:s17], $0x64  }
0xee: {  	[sflag:s17] =	ssyncset.done $0x0  }
0xef: {  	s29 =	sadd.s32 $0x500, s23;
	[sflag:s17] =	ssyncadd.s32 $0xFFFFFF9C  }
0xf0: {  	[spmem:s2] =	stream.indirect.scatter.add.f32 [tilespmem:s18], [sflag:$0x1], $0x1, s29, s21, $0xb8;
	[tilespmem:$0x3F00] =	vst v63  }
0xf1: {  	_ =	swait.ge [sflag:s17], $0x64  }
0xf2: {  	[sflag:s17] =	ssyncset.done $0x0  }
0xf3: {  	s30 =	sadd.s32 $0x580, s23;
	[sflag:s17] =	ssyncadd.s32 $0xFFFFFF9C  }
0xf4: {  	[spmem:s2] =	stream.indirect.scatter.add.f32 [tilespmem:s18], [sflag:$0x1], $0x1, s30, s21, $0xb8;
	[tilespmem:$0x3F00] =	vst v63  }
0xf5: {  	_ =	swait.ge [sflag:s17], $0x64  }
0xf6: {  	[sflag:s17] =	ssyncset.done $0x0  }
0xf7: {  	s31 =	sadd.s32 $0x600, s23;
	[sflag:s17] =	ssyncadd.s32 $0xFFFFFF9C  }
0xf8: {  	[spmem:s2] =	stream.indirect.scatter.add.f32 [tilespmem:s18], [sflag:$0x1], $0x1, s31, s21, $0xb8;
	[tilespmem:$0x3F00] =	vst v63  }
0xf9: {  	_ =	swait.ge [sflag:s17], $0x64  }
0xfa: {  	[sflag:s17] =	ssyncset.done $0x0  }
0xfb: {  	s25 =	sadd.s32 $0x680, s23;
	[sflag:s17] =	ssyncadd.s32 $0xFFFFFF9C  }
0xfc: {  	[spmem:s2] =	stream.indirect.scatter.add.f32 [tilespmem:s18], [sflag:$0x1], $0x1, s25, s21, $0xb8;
	[tilespmem:$0x3F00] =	vst v63  }
0xfd: {  	_ =	swait.ge [sflag:s17], $0x64  }
0xfe: {  	[sflag:s17] =	ssyncset.done $0x0  }
0xff: {  	s26 =	sadd.s32 $0x700, s23;
	[sflag:s17] =	ssyncadd.s32 $0xFFFFFF9C  }
0x100: {  	[spmem:s2] =	stream.indirect.scatter.add.f32 [tilespmem:s18], [sflag:$0x1], $0x1, s26, s21, $0xb8;
	[tilespmem:$0x3F00] =	vst v63  }
0x101: {  	_ =	swait.ge [sflag:s17], $0x64  }
0x102: {  	[sflag:s17] =	ssyncset.done $0x0  }
0x103: {  	s28 =	sadd.s32 $0x780, s23;
	[sflag:s17] =	ssyncadd.s32 $0xFFFFFF9C  }
0x104: {  	[spmem:s2] =	stream.indirect.scatter.add.f32 [tilespmem:s18], [sflag:$0x1], $0x1, s28, s21, $0xb8;
	[tilespmem:$0x3F00] =	vst v63  }
0x105: {  	_ =	swait.ge [sflag:s17], $0x64  }
0x106: {  	[sflag:s17] =	ssyncset.done $0x0  }
0x107: {  	s29 =	sadd.s32 $0x800, s23;
	[sflag:s17] =	ssyncadd.s32 $0xFFFFFF9C  }
0x108: {  	[spmem:s2] =	stream.indirect.scatter.add.f32 [tilespmem:s18], [sflag:$0x1], $0x1, s29, s21, $0xb8;
	[tilespmem:$0x3F00] =	vst v63  }
0x109: {  	_ =	swait.ge [sflag:s17], $0x64  }
0x10a: {  	[sflag:s17] =	ssyncset.done $0x0  }
0x10b: {  	s30 =	sadd.s32 $0x880, s23;
	[sflag:s17] =	ssyncadd.s32 $0xFFFFFF9C  }
0x10c: {  	[spmem:s2] =	stream.indirect.scatter.add.f32 [tilespmem:s18], [sflag:$0x1], $0x1, s30, s21, $0xb8;
	[tilespmem:$0x3F00] =	vst v63  }
0x10d: {  	_ =	swait.ge [sflag:s17], $0x64  }
0x10e: {  	[sflag:s17] =	ssyncset.done $0x0  }
0x10f: {  	s31 =	sadd.s32 $0x900, s23;
	[sflag:s17] =	ssyncadd.s32 $0xFFFFFF9C  }
0x110: {  	[spmem:s2] =	stream.indirect.scatter.add.f32 [tilespmem:s18], [sflag:$0x1], $0x1, s31, s21, $0xb8;
	[tilespmem:$0x3F00] =	vst v63  }
0x111: {  	_ =	swait.ge [sflag:s17], $0x64  }
0x112: {  	[sflag:s17] =	ssyncset.done $0x0  }
0x113: {  	s23 =	sadd.s32 $0x980, s23;
	[sflag:s17] =	ssyncadd.s32 $0xFFFFFF9C  }
0x114: {  	[spmem:s2] =	stream.indirect.scatter.add.f32 [tilespmem:s18], [sflag:$0x1], $0x1, s23, s21, $0xb8;
	[tilespmem:$0x3F00] =	vst v63  }
0x115: {  	_ =	swait.ge [sflag:s17], $0x64  }
0x116: {  	s22 =	sadd.s32 $0x1, s22;
	[sflag:s17] =	ssyncset.done $0x0  }
0x117: {  	p0 =	sne.s32 s22, s8;
	[sflag:s17] =	ssyncadd.s32 $0xFFFFFF9C  }
.Ltmp1:
0x118: {  	[bflag:$0x0] =	sbarrier.arrive $0xFFFF;
	(pc) =	sbr.rel @p0 .LBB2_1-.Ltmp1, $4  }
0x119: {  	[hbm:s7], [sflag:s19] =	dma.local [spmem:s20], $0x50  }
0x11a: {  	_ =	swait.ge [sflag:s17], $0x50  }
0x11b: {  	[sflag:s17] =	ssyncset.done $0x0  }
0x11c: {  	[sflag:s17] =	ssyncadd.s32 $0xFFFFFFB0  }
0x11d: {  	_ =	sfence.sel $0x180000  }
0x11e: {  	[bflag:$0x0] =	sbarrier.arrive $0xFFFF  }
0x11f: {  	p0 =	sne.s32 s1, $0x0;
	_ =	strace $0x90000047  }
0x120: {  	s0 =	sadd.s32 @!p0 $0x100000, s0;
	[bflag:$0x2] =	sbarrier.arrive $0xFFFF  }
0x121: {  	[sflag:s0] =	ssyncadd.tile.s32 @!p0 $0x1;
	_ =	shalt  }
.Lfunc_end2:
_tile_overlayer_lowered:
.L_overlay_start_2:
0x122: {  	(tag) =	ssettag $0x2  }
0x123: {  	s0 =	rddreg [dreg:$0x0];
	s2 =	stileid.u32  }
0x124: {  	s1 =	rddreg [dreg:$0x1];
	p0 =	sne.s32 s2, $0x0  }
0x125: {  	s3 =	rddreg [dreg:$0x2];
	[bflag:$0x3] =	sbarrier.arrive $0xFFFF;
	s2 =	simm.s32 @!p0 $0x1C01  }
0x126: {  	[timem:s3], [sflag:s2] =	dma.local @!p0 [hbm:s0], s1  }
0x127: {  	s0 =	simm.s32 @!p0 $0x1  }
0x128: {  	_ =	swait.ge @!p0 [sflag:s0], s1  }
0x129: {  	s1 =	ssub.s32 @!p0 $0x0, s1;
	[sflag:s0] =	ssyncset.done @!p0 $0x0  }
0x12a: {  	[sflag:s0] =	ssyncadd.s32 @!p0 s1  }
0x12b: {  	[bflag:$0x3] =	sbarrier.arrive $0xFFFF  }
0x12c: {  	_ =	shalt  }

// kernel: kernel.9.cloned.1.call-start
scs
__scs_entry_jumppad:
0x0: {  	(pc) =	sbr.rel $0x88, $3  }
0x1: {  	(tag) =	ssettag $0x0;
	lr =	simm.s32 $0x1  }
0x2: {  	[smem:$0x3F9D] =	sst lr;
	_ =	strace $0xD0000000  }
0x3: {  	_ = 	snop  }
0x4: {  	_ = 	snop  }
0x5: {  	_ = 	snop  }
0x6: {  	_ = 	snop  }
0x7: {  	_ = 	snop  }
__scs_overlays_trampoline_lowered:
0x8: {  	[smem:$0x3FAC] =	sst s0  }
0x9: {  	[smem:$0x3FAD] =	sst s1  }
0xa: {  	[smem:$0x3FAE] =	sst s2  }
0xb: {  	[smem:$0x3FAF] =	sst s3  }
0xc: {  	[smem:$0x3FB0] =	sst s4  }
0xd: {  	[smem:$0x3FB1] =	sst s5  }
0xe: {  	[smem:$0x3FB2] =	sst s6  }
0xf: {  	[smem:$0x3FB3] =	sst s7  }
0x10: {  	[smem:$0x3FB4] =	sst s8  }
0x11: {  	[smem:$0x3FB5] =	sst s9;
	s0 =	simm.s32 @!p0 $0x0  }
0x12: {  	s1 =	sld [smem:$0x3F9B];
	s0 =	simm.s32 @p0 $0x1  }
0x13: {  	[smem:$0x3FB6] =	sst s0;
	s0 =	simm.s32 @!p1 $0x0  }
0x14: {  	s2 =	sld [smem:$0x3F9A];
	s0 =	simm.s32 @p1 $0x1  }
0x15: {  	[smem:$0x3FB7] =	sst s0;
	s0 =	simm.s32 @!p2 $0x0  }
0x16: {  	s3 =	sld [smem:$0x3FDB];
	s0 =	simm.s32 @p2 $0x1  }
0x17: {  	s4 =	simm.s32 $0x1BF5;
	[smem:$0x3FB9] =	sst s0  }
0x18: {  	s0 =	sld [smem:$0x3F9C];
	_ =	swait.ge [sflag:s4], $0x0  }
0x19: {  	s7 =	sld [smem:$0x3F9D]  }
0x1a: {  	s8 =	sadd.s32 $0xFFFFE003, lr  }
0x1b: {  	s9 =	sadd.s32 $0xFFFFFEF7, lr;
	s5 =	simm.s32 $0xFFFFFFFF;
	p2 =	slt.u32 s8, $0xFFFFF086  }
0x1c: {  	p1 =	slt.u32 s9, $0xF7A;
	s5 =	simm.s32 @!p2 $0x0  }
0x1d: {  	s5 =	simm.s32 @p1 $0x1;
	p0 =	seq.s32 s7, s2  }
0x1e: {  	s7 =	smul.u32 @!p0 $0xF7A, s2;
	p2 =	seq.s32 @!p0 s5, $0x0  }
0x1f: {  	s9 =	smul.u32 $0xF7A, s1;
	s8 =	simm.s32 @!p0 $0x1BF5;
	p2 =	por !p2, p0  }
0x20: {  	[sflag:s8] =	ssyncset.s32 @!p0 $0xFFFFF086;
	s6 =	sadd.s32 @!p0 s3, s7;
	s7 =	simm.s32 @!p0 $0x108  }
0x21: {  	s3 =	sadd.s32 s3, s9;
	s6 =	sadd.s32 @!p0 $0x88, s6;
	s7 =	simm.s32 @p2 $0x1082  }
0x22: {  	[simem:s7], [sflag:s8] =	dma.local @!p0 [hbm:s6], $0xF7A  }
0x23: {  	s9 =	sor.u32 $0xD0000000, s2;
	s6 =	simm.s32 $0x108;
	_ =	swait.ge @!p0 [sflag:s8], $0x0  }
0x24: {  	s3 =	sadd.s32 $0x88, s3;
	s6 =	simm.s32 @!p1 $0x1082;
	[sflag:s4] =	ssyncset.s32 $0xFFFFF086  }
0x25: {  	[simem:s6], [sflag:s4] =	dma.local [hbm:s3], $0xF7A  }
0x26: {  	[smem:$0x3F9D] =	sst s1;
	(tag) =	ssettag s2;
	_ =	strace s9  }
0x27: {  	s1 =	sld [smem:$0x3FAD]  }
0x28: {  	s2 =	sld [smem:$0x3FAE]  }
0x29: {  	s4 =	sld [smem:$0x3FB0]  }
0x2a: {  	p0 =	seq.s32 s5, $0x0;
	s5 =	sld [smem:$0x3FB1]  }
0x2b: {  	s6 =	sld [smem:$0x3FB2]  }
0x2c: {  	s7 =	sld [smem:$0x3FB3]  }
0x2d: {  	s3 =	simm.s32 $0x108;
	s8 =	sld [smem:$0x3FB4]  }
0x2e: {  	s3 =	simm.s32 @!p0 $0x1082;
	s9 =	sld [smem:$0x3FB5]  }
0x2f: {  	lr =	sadd.s32 s0, s3;
	s0 =	sld [smem:$0x3FAC]  }
0x30: {  	s3 =	sld [smem:$0x3FAF]  }
0x31: {  	[smem:$0x3FB8] =	sst s10  }
0x32: {  	s10 =	sld [smem:$0x3FB6];
	_ =	sdelay $0x3  }
0x33: {  	p0 =	seq.s32 s10, $0x1;
	s10 =	sld [smem:$0x3FB8];
	_ =	sdelay $0x3  }
0x34: {  	[smem:$0x3FB8] =	sst s10  }
0x35: {  	s10 =	sld [smem:$0x3FB7];
	_ =	sdelay $0x3  }
0x36: {  	p1 =	seq.s32 s10, $0x1;
	s10 =	sld [smem:$0x3FB8];
	_ =	sdelay $0x3  }
0x37: {  	[smem:$0x3FB8] =	sst s10  }
0x38: {  	s10 =	sld [smem:$0x3FB9]  }
0x39: {  	_ = 	snop;
	(pc) =	sbr.ind lr, $3  }
0x3a: {  	_ = 	snop  }
0x3b: {  	_ = 	snop  }
0x3c: {  	p2 =	seq.s32 s10, $0x1;
	s10 =	sld [smem:$0x3FB8]  }
0x3d: {  	_ =	shalt  }
0x3e: {  	_ =	shalt  }
0x3f: {  	_ =	shalt  }
0x40: {  	_ =	shalt  }
0x41: {  	_ =	shalt  }
0x42: {  	_ =	shalt  }
0x43: {  	_ =	shalt  }
0x44: {  	_ =	shalt  }
0x45: {  	_ =	shalt  }
0x46: {  	_ =	shalt  }
0x47: {  	_ =	shalt  }
0x48: {  	_ =	shalt  }
0x49: {  	_ =	shalt  }
0x4a: {  	_ =	shalt  }
0x4b: {  	_ =	shalt  }
0x4c: {  	_ =	shalt  }
0x4d: {  	_ =	shalt  }
0x4e: {  	_ =	shalt  }
0x4f: {  	_ =	shalt  }
0x50: {  	_ =	shalt  }
0x51: {  	_ =	shalt  }
0x52: {  	_ =	shalt  }
0x53: {  	_ =	shalt  }
0x54: {  	_ =	shalt  }
0x55: {  	_ =	shalt  }
0x56: {  	_ =	shalt  }
0x57: {  	_ =	shalt  }
0x58: {  	_ =	shalt  }
0x59: {  	_ =	shalt  }
0x5a: {  	_ =	shalt  }
0x5b: {  	_ =	shalt  }
0x5c: {  	_ =	shalt  }
0x5d: {  	_ =	shalt  }
0x5e: {  	_ =	shalt  }
0x5f: {  	_ =	shalt  }
0x60: {  	_ =	shalt  }
0x61: {  	_ =	shalt  }
0x62: {  	_ =	shalt  }
0x63: {  	_ =	shalt  }
0x64: {  	_ =	shalt  }
0x65: {  	_ =	shalt  }
0x66: {  	_ =	shalt  }
0x67: {  	_ =	shalt  }
0x68: {  	_ =	shalt  }
0x69: {  	_ =	shalt  }
0x6a: {  	_ =	shalt  }
0x6b: {  	_ =	shalt  }
0x6c: {  	_ =	shalt  }
0x6d: {  	_ =	shalt  }
0x6e: {  	_ =	shalt  }
0x6f: {  	_ =	shalt  }
0x70: {  	_ =	shalt  }
0x71: {  	_ =	shalt  }
0x72: {  	_ =	shalt  }
0x73: {  	_ =	shalt  }
0x74: {  	_ =	shalt  }
0x75: {  	_ =	shalt  }
0x76: {  	_ =	shalt  }
0x77: {  	_ =	shalt  }
0x78: {  	_ =	shalt  }
0x79: {  	_ =	shalt  }
0x7a: {  	_ =	shalt  }
0x7b: {  	_ =	shalt  }
0x7c: {  	_ =	shalt  }
0x7d: {  	_ =	shalt  }
0x7e: {  	_ =	shalt  }
0x7f: {  	_ =	shalt  }
0x80: {  	_ =	shalt  }
0x81: {  	_ =	shalt  }
0x82: {  	_ =	shalt  }
0x83: {  	_ =	shalt  }
0x84: {  	_ =	shalt  }
0x85: {  	_ =	shalt  }
0x86: {  	_ =	shalt  }
0x87: {  	_ =	shalt  }
.Lfunc_end0:
.L_simem_size_0:
called_computation.1_lowered:
.L_overlay_start_0:
0x88: {  	s2 =	sld [smem:$0x3FD9]  }
0x89: {  	s3 =	sld [smem:$0x3FFE];
	_ =	sdelay $0x1  }
0x8a: {  	s1 =	srdreg.scid  }
0x8b: {  	s0 =	sand.u32 $0x1, s1  }
0x8c: {  	s17 =	sshll.u32 s0, $0xA;
	s2 =	sadd.s32 s3, s2  }
0x8d: {  	s2 =	sadd.s32 s2, s17  }
0x8e: {  	[smem:$0x3FC4] =	sst s2  }
0x8f: {  	_ = 	snop  }
0x90: {  	s2 =	sld [smem:$0x3FD0];
	(tm) =	ssettm $0x1  }
0x91: {  	s18 =	sld [smem:$0x3FFB];
	_ =	sdelay $0x3  }
0x92: {  	_ =	strace s18  }
0x93: {  	s3 =	sld [smem:$0x3FFC];
	_ =	sdelay $0x3  }
0x94: {  	_ =	strace s3  }
0x95: {  	s3 =	sld [smem:$0x3FFD];
	_ =	sdelay $0x3  }
0x96: {  	_ =	strace s3  }
0x97: {  	_ =	strace $0x8FFFFFFF  }
0x98: {  	s19 =	sld [smem:$0x3FDB];
	_ =	sdelay $0x1  }
0x99: {  	s4 =	simm.s32 $_scs_section_size  }
0x9a: {  	s5 =	simm.s32 $_size__tile_overlayer_lowered;
	s6 =	simm.s32 $_tile_overlayer_lowered  }
0x9b: {  	s22 =	simm.s32 $0x1BFF;
	s21 =	sshll.u32 s6, $0x1;
	s3 =	sadd.s32 s4, s19  }
0x9c: {  	s7 =	simm.s32 $0x0;
	s20 =	sshll.u32 s5, $0x1;
	s5 =	sadd.s32 s21, s3  }
0x9d: {  	[timem:s7], [sflag:s22] =	dma.local [hbm:s5], s20  }
0x9e: {  	_ =	swait.ge [sflag:s22], s20  }
0x9f: {  	s4 =	ssub.s32 $0x0, s20;
	[sflag:s22] =	ssyncset.done $0x0  }
0xa0: {  	[sflag:s22] =	ssyncadd.s32 s4;
	_ =	sdelay $0x1  }
0xa1: {  	s23 =	simm.s32 $0x1B8B  }
0xa2: {  	_ =	swait.ge [sflag:s23], $0x1  }
0xa3: {  	[sflag:s23] =	ssyncset.done $0x0  }
0xa4: {  	s25 =	simm.s32 $0x1B8E;
	s24 =	sld [smem:$0x3FFE];
	[sflag:s23] =	ssyncadd.s32 $0xFFFFFFFF  }
0xa5: {  	s26 =	simm.s32 $execute0_lowered;
	[smem:$0x3FD2] =	sst s25  }
0xa6: {  	s5 =	sshll.u32 s26, $0x1;
	_ =	strace $0x80000049;
	[dreg:$0x1] =	wrdreg $0xFFFFFFFF  }
0xa7: {  	s28 =	simm.s32 $_size_execute0_lowered;
	s3 =	sadd.s32 s3, s5;
	[dreg:$0x0] =	wrdreg $0x0  }
0xa8: {  	s5 =	sshll.u32 s28, $0x1;
	[dreg:$0x2] =	wrdreg s3  }
0xa9: {  	[dreg:$0x3] =	wrdreg s5  }
0xaa: {  	[dreg:$0x4] =	wrdreg $0xC0  }
0xab: {  	_ =	task [dreg:s7], $0x5FFFF  }
0xac: {  	[dreg:$0x1] =	wrdreg $0xFFFFFFFF  }
0xad: {  	[dreg:$0x0] =	wrdreg $0x60  }
0xae: {  	[dreg:$0x2] =	wrdreg s24  }
0xaf: {  	[dreg:$0x3] =	wrdreg s2  }
0xb0: {  	[dreg:$0x4] =	wrdreg $0xB4000  }
0xb1: {  	[dreg:$0x5] =	wrdreg $0x9  }
0xb2: {  	_ =	task.clear_ibuf [dreg:s7], $0x6FFFF;
	_ =	strace $0x90000049  }
0xb3: {  	s29 =	simm.s32 $0x9;
	_ =	strace $0x8000004B  }
0xb4: {  	_ =	swait.ge [sflag:s29], $0x1  }
0xb5: {  	[sflag:s29] =	ssyncadd.s32 $0xFFFFFFFF  }
0xb6: {  	_ =	strace $0x9000004B  }
0xb7: {  	_ =	sfence  }
0xb8: {  	s30 =	sld [smem:$0x0];
	_ =	sdelay $0x2  }
0xb9: {  	s31 =	sshll.u32 s1, $0xD;
	s1 =	sshrl.u32 s1, $0x2  }
0xba: {  	s3 =	sand.u32 $0x4000, s31;
	s1 =	sadd.s32 s1, s30  }
0xbb: {  	s0 =	sor.u32 s3, s0;
	s1 =	sshll.u32 s1, $0x11  }
0xbc: {  	s0 =	sor.u32 s1, s0  }
0xbd: {  	s0 =	sadd.s32 $0x8F2B, s0  }
0xbe: {  	[sflag:s0] =	ssyncadd.remote.s32 $0x1  }
0xbf: {  	_ =	sfence.sel $0xFFFF  }
0xc0: {  	[dreg:$0x0] =	wrdreg $0xFFFFFFFF;
	(pc) =	sbr.abs _section_cstart, $3  }
0xc1: {  	[dreg:$0x1] =	wrdreg $0xFFFFFFFF  }
0xc2: {  	_ =	task.clear_ibuf [dreg:s7], $0x2FFFF;
	_ =	strace $0x9FFFFFFF  }
0xc3: {  	(tm) =	ssettm $0x7FFFFFFF  }
tec
execute0_lowered:
.L_overlay_start_1:
0x0: {  	(tag) =	ssettag $0x1  }
0x1: {  	s0 =	rddreg [dreg:$0x0];
	s1 =	srdreg.scid  }
0x2: {  	s5 =	rddreg [dreg:$0x1];
	s9 =	stileid.u32  }
0x3: {  	s2 =	rddreg [dreg:$0x2];
	s3 =	simm.s32 $0x0;
	s16 =	simm.s32 $0x80  }
0x4: {  	s17 =	simm.s32 $0x100;
	[smem:$0x7FF] =	sst s3;
	s15 =	sadd.s32 $0x39600, s0  }
0x5: {  	s18 =	simm.s32 $0xC80;
	_ =	strace $0x8000004A;
	[smem:$0x7F9] =	sst s15  }
0x6: {  	s19 =	simm.s32 $0x180;
	s20 =	simm.s32 $0xD00;
	[dreg:$0x6] =	wrdreg s16  }
0x7: {  	s22 =	simm.s32 $0x200;
	s24 =	simm.s32 $0xD80;
	[dreg:$0x7] =	wrdreg s17  }
0x8: {  	s25 =	simm.s32 $0x280;
	s11 =	simm.s32 $0xE80;
	[dreg:$0x8] =	wrdreg s18  }
0x9: {  	s12 =	simm.s32 $0x380;
	s28 =	simm.s32 $0x880;
	[dreg:$0x9] =	wrdreg s19  }
0xa: {  	s29 =	simm.s32 $0x1400;
	s30 =	simm.s32 $0x900;
	[dreg:$0xa] =	wrdreg s20  }
0xb: {  	s31 =	simm.s32 $0x1480;
	s6 =	smul.u32 $0x3C00, s9;
	[dreg:$0xb] =	wrdreg s22  }
0xc: {  	s1 =	sand.u32 $0x1, s1;
	s13 =	smul.u32 $0x14000, s9;
	[dreg:$0xc] =	wrdreg s24  }
0xd: {  	s23 =	smul.u32 $0x50000, s9;
	s10 =	sshll.u32 s9, $0x6;
	[dreg:$0xd] =	wrdreg s25  }
0xe: {  	s9 =	simm.s32 $0x0;
	s4 =	smul.u32 $0x3C000, s1;
	[dreg:$0x10] =	wrdreg s11  }
0xf: {  	s8 =	smul.u32 $0x140000, s1;
	s1 =	ssub.s32 $0x2, s1;
	[dreg:$0x11] =	wrdreg s12  }
0x10: {  	s15 =	simm.s32 $0xF80;
	s16 =	simm.s32 $0x480;
	s11 =	simm.s32 $0xC00  }
0x11: {  	s17 =	simm.s32 $0x1000;
	s12 =	simm.s32 $0x64;
	[dreg:$0x14] =	wrdreg s15  }
0x12: {  	s18 =	simm.s32 $0x500;
	s19 =	simm.s32 $0x1080;
	[dreg:$0x15] =	wrdreg s16  }
0x13: {  	s20 =	simm.s32 $0x580;
	s22 =	simm.s32 $0x600;
	[dreg:$0x16] =	wrdreg s17  }
0x14: {  	s24 =	simm.s32 $0x680;
	s25 =	simm.s32 $0x1200;
	[dreg:$0x17] =	wrdreg s18  }
0x15: {  	s21 =	sshrl.u32 s1, $0x1;
	s26 =	sshrl.u32 s23, $0x2;
	[dreg:$0x18] =	wrdreg s19  }
0x16: {  	s15 =	simm.s32 $0x1;
	[dreg:$0x19] =	wrdreg s20;
	s16 =	simm.s32 $0x8000  }
0x17: {  	s17 =	simm.s32 $0x2;
	[dreg:$0x1b] =	wrdreg s22;
	s23 =	simm.s32 $0x1180  }
0x18: {  	s18 =	simm.s32 $0x4;
	s19 =	simm.s32 $0x3;
	[dreg:$0x1d] =	wrdreg s24  }
0x19: {  	s20 =	simm.s32 $0x5;
	[dreg:$0x1e] =	wrdreg s25;
	s22 =	simm.s32 $0x1280  }
0x1a: {  	s24 =	simm.s32 $0x1300;
	s25 =	simm.s32 $0x800;
	s6 =	sadd.s32 s6, s4  }
0x1b: {  	s4 =	sadd.s32 $0x11600, s0;
	s1 =	ssub.s32 s1, s21;
	s21 =	simm.s32 $0x1100  }
0x1c: {  	[dreg:$0x1c] =	wrdreg s23;
	s23 =	simm.s32 $0x780;
	s6 =	sshrl.u32 s6, $0x3  }
0x1d: {  	s1 =	smax.u32 s1, $0x1;
	[dreg:$0x1a] =	wrdreg s21;
	s21 =	simm.s32 $0x6  }
0x1e: {  	s7 =	sadd.s32 s6, s0;
	s5 =	sadd.s32 s6, s5;
	[smem:$0x7FB] =	sst s1  }
0x1f: {  	s6 =	sadd.s32 s13, s8;
	s8 =	simm.s32 $0x300;
	[dreg:$0x4] =	wrdreg s5  }
0x20: {  	s13 =	simm.s32 $0xF00;
	s1 =	simm.s32 $0x980;
	[dreg:$0xf] =	wrdreg s8  }
0x21: {  	s14 =	sadd.s32 $0x2600, s7;
	s6 =	sshrl.u32 s6, $0x3;
	[dreg:$0x12] =	wrdreg s13  }
0x22: {  	s7 =	simm.s32 $0xE00;
	s13 =	simm.s32 $0x1800;
	[dreg:$0x5] =	wrdreg s14  }
0x23: {  	s0 =	sadd.s32 s6, s0;
	[dreg:$0xe] =	wrdreg s7;
	s14 =	simm.s32 $0x400  }
0x24: {  	s6 =	sadd.s32 s26, s2;
	s26 =	simm.s32 $0x700;
	[dreg:$0x13] =	wrdreg s14  }
0x25: {  	s5 =	simm.s32 $0x1580;
	s7 =	sor.u32 $0x1C07, s10;
	[dreg:$0x1f] =	wrdreg s26  }
0x26: {  	s10 =	simm.s32 $0x7;
	s0 =	sadd.s32 $0x3BE00, s0;
	[smem:$0x7FC] =	sst s7  }
0x27: {  	s8 =	sshrl.u32 s6, $0x3;
	s14 =	simm.s32 $0x4C00;
	[smem:$0x7FA] =	sst s0  }
0x28: {  	s26 =	simm.s32 $0x1380;
	s0 =	simm.s32 $0x1500;
	[smem:$0x7FD] =	sst s8  }
.LBB2_1:
0x29: {  	s6 =	sld [smem:$0x7F9];
	_ =	sdelay $0x1  }
0x2a: {  	[smem:$0x7F8] =	sst s9  }
0x2b: {  	[spmem:s8], [sflag:s7] =	dma.local [hbm:s6], $0x2800  }
0x2c: {  	_ =	swait.ge [sflag:s10], $0x2800  }
0x2d: {  	[sflag:s10] =	ssyncset.done $0x0  }
0x2e: {  	[sflag:s10] =	ssyncadd.s32 $0xFFFFD800  }
0x2f: {  	[bflag:$0x0] =	sbarrier.arrive $0xFFFF  }
0x30: {  	s9 =	rddreg [dreg:$0x5]  }
0x31: {  	s6 =	sadd.s32 $0x0, s9  }
0x32: {  	[tilespmem:s3], [sflag:$0x7] =	stream.linear.gather [hbm4b:s6+s3], $0xA00, $0x38;
	[tilespmem:$0x1F400] =	vst v63  }
0x33: {  	_ =	swait.ge [sflag:s10], $0xA00  }
0x34: {  	s7 =	rddreg [dreg:$0x4];
	[sflag:s10] =	ssyncset.done $0x0  }
0x35: {  	[sflag:s10] =	ssyncadd.s32 $0xFFFFF600;
	s6 =	sadd.s32 $0x0, s7  }
0x36: {  	[tilespmem:s11], [sflag:$0x7] =	stream.linear.gather [hbm4b:s6+s3], $0xA00, $0x38;
	[tilespmem:$0x1F400] =	vst v63  }
0x37: {  	_ =	swait.ge [sflag:s10], $0xA00  }
0x38: {  	[sflag:s10] =	ssyncset.done $0x0  }
0x39: {  	[sflag:s10] =	ssyncadd.s32 $0xFFFFF600  }
0x3a: {  	[tilespmem:s13], [sflag:$0x1] =	stream.indirect.gather [hbm4b:s4+s12], $0x80, s3, s12, $0xb8;
	[tilespmem:$0x1F400] =	vst v63  }
0x3b: {  	s8 =	rddreg [dreg:$0x6]  }
0x3c: {  	[tilespmem:s14], [sflag:$0x2] =	stream.indirect.gather [hbm4b:s4+s12], $0x80, s8, s12, $0xb8;
	[tilespmem:$0x1F400] =	vst v63  }
0x3d: {  	_ =	swait.ge [sflag:s15], $0x3200  }
0x3e: {  	[sflag:s15] =	ssyncset.done $0x0  }
0x3f: {  	[sflag:s15] =	ssyncadd.s32 $0xFFFFCE00  }
0x40: {  	[spmem:s2] =	stream.indirect.scatter.add.f32 [tilespmem:s13], [sflag:$0x4], $0x80, s11, s12, $0xb8;
	[tilespmem:$0x1F400] =	vst v63  }
0x41: {  	s9 =	rddreg [dreg:$0x7]  }
0x42: {  	[tilespmem:s16], [sflag:$0x3] =	stream.indirect.gather [hbm4b:s4+s12], $0x80, s9, s12, $0xb8;
	[tilespmem:$0x1F400] =	vst v63  }
0x43: {  	_ =	swait.ge [sflag:s17], $0x3200  }
0x44: {  	[sflag:s17] =	ssyncset.done $0x0  }
0x45: {  	s7 =	rddreg [dreg:$0x8];
	[sflag:s17] =	ssyncadd.s32 $0xFFFFCE00  }
0x46: {  	[spmem:s2] =	stream.indirect.scatter.add.f32 [tilespmem:s14], [sflag:$0x5], $0x80, s7, s12, $0xb8;
	[tilespmem:$0x1F400] =	vst v63  }
0x47: {  	_ =	swait.ge [sflag:s18], $0x3200  }
0x48: {  	[sflag:s18] =	ssyncset.done $0x0  }
0x49: {  	s8 =	rddreg [dreg:$0x9];
	[sflag:s18] =	ssyncadd.s32 $0xFFFFCE00  }
0x4a: {  	[tilespmem:s13], [sflag:$0x1] =	stream.indirect.gather [hbm4b:s4+s12], $0x80, s8, s12, $0xb8;
	[tilespmem:$0x1F400] =	vst v63  }
0x4b: {  	_ =	swait.ge [sflag:s19], $0x3200  }
0x4c: {  	[sflag:s19] =	ssyncset.done $0x0  }
0x4d: {  	s9 =	rddreg [dreg:$0xa];
	[sflag:s19] =	ssyncadd.s32 $0xFFFFCE00  }
0x4e: {  	[spmem:s2] =	stream.indirect.scatter.add.f32 [tilespmem:s16], [sflag:$0x6], $0x80, s9, s12, $0xb8;
	[tilespmem:$0x1F400] =	vst v63  }
0x4f: {  	_ =	swait.ge [sflag:s20], $0x3200  }
0x50: {  	[sflag:s20] =	ssyncset.done $0x0  }
0x51: {  	s7 =	rddreg [dreg:$0xb];
	[sflag:s20] =	ssyncadd.s32 $0xFFFFCE00  }
0x52: {  	[tilespmem:s14], [sflag:$0x2] =	stream.indirect.gather [hbm4b:s4+s12], $0x80, s7, s12, $0xb8;
	[tilespmem:$0x1F400] =	vst v63  }
0x53: {  	_ =	swait.ge [sflag:s15], $0x3200  }
0x54: {  	[sflag:s15] =	ssyncset.done $0x0  }
0x55: {  	s8 =	rddreg [dreg:$0xc];
	[sflag:s15] =	ssyncadd.s32 $0xFFFFCE00  }
0x56: {  	[spmem:s2] =	stream.indirect.scatter.add.f32 [tilespmem:s13], [sflag:$0x4], $0x80, s8, s12, $0xb8;
	[tilespmem:$0x1F400] =	vst v63  }
0x57: {  	_ =	swait.ge [sflag:s21], $0x3200  }
0x58: {  	[sflag:s21] =	ssyncset.done $0x0  }
0x59: {  	s9 =	rddreg [dreg:$0xd];
	[sflag:s21] =	ssyncadd.s32 $0xFFFFCE00  }
0x5a: {  	[tilespmem:s16], [sflag:$0x3] =	stream.indirect.gather [hbm4b:s4+s12], $0x80, s9, s12, $0xb8;
	[tilespmem:$0x1F400] =	vst v63  }
0x5b: {  	_ =	swait.ge [sflag:s17], $0x3200  }
0x5c: {  	[sflag:s17] =	ssyncset.done $0x0  }
0x5d: {  	s7 =	rddreg [dreg:$0xe];
	[sflag:s17] =	ssyncadd.s32 $0xFFFFCE00  }
0x5e: {  	[spmem:s2] =	stream.indirect.scatter.add.f32 [tilespmem:s14], [sflag:$0x5], $0x80, s7, s12, $0xb8;
	[tilespmem:$0x1F400] =	vst v63  }
0x5f: {  	_ =	swait.ge [sflag:s18], $0x3200  }
0x60: {  	[sflag:s18] =	ssyncset.done $0x0  }
0x61: {  	s8 =	rddreg [dreg:$0xf];
	[sflag:s18] =	ssyncadd.s32 $0xFFFFCE00  }
0x62: {  	[tilespmem:s13], [sflag:$0x1] =	stream.indirect.gather [hbm4b:s4+s12], $0x80, s8, s12, $0xb8;
	[tilespmem:$0x1F400] =	vst v63  }
0x63: {  	_ =	swait.ge [sflag:s19], $0x3200  }
0x64: {  	[sflag:s19] =	ssyncset.done $0x0  }
0x65: {  	s9 =	rddreg [dreg:$0x10];
	[sflag:s19] =	ssyncadd.s32 $0xFFFFCE00  }
0x66: {  	[spmem:s2] =	stream.indirect.scatter.add.f32 [tilespmem:s16], [sflag:$0x6], $0x80, s9, s12, $0xb8;
	[tilespmem:$0x1F400] =	vst v63  }
0x67: {  	_ =	swait.ge [sflag:s20], $0x3200  }
0x68: {  	[sflag:s20] =	ssyncset.done $0x0  }
0x69: {  	s7 =	rddreg [dreg:$0x11];
	[sflag:s20] =	ssyncadd.s32 $0xFFFFCE00  }
0x6a: {  	[tilespmem:s14], [sflag:$0x2] =	stream.indirect.gather [hbm4b:s4+s12], $0x80, s7, s12, $0xb8;
	[tilespmem:$0x1F400] =	vst v63  }
0x6b: {  	_ =	swait.ge [sflag:s15], $0x3200  }
0x6c: {  	[sflag:s15] =	ssyncset.done $0x0  }
0x6d: {  	s8 =	rddreg [dreg:$0x12];
	[sflag:s15] =	ssyncadd.s32 $0xFFFFCE00  }
0x6e: {  	[spmem:s2] =	stream.indirect.scatter.add.f32 [tilespmem:s13], [sflag:$0x4], $0x80, s8, s12, $0xb8;
	[tilespmem:$0x1F400] =	vst v63  }
0x6f: {  	_ =	swait.ge [sflag:s21], $0x3200  }
0x70: {  	[sflag:s21] =	ssyncset.done $0x0  }
0x71: {  	s9 =	rddreg [dreg:$0x13];
	[sflag:s21] =	ssyncadd.s32 $0xFFFFCE00  }
0x72: {  	[tilespmem:s16], [sflag:$0x3] =	stream.indirect.gather [hbm4b:s4+s12], $0x80, s9, s12, $0xb8;
	[tilespmem:$0x1F400] =	vst v63  }
0x73: {  	_ =	swait.ge [sflag:s17], $0x3200  }
0x74: {  	[sflag:s17] =	ssyncset.done $0x0  }
0x75: {  	s7 =	rddreg [dreg:$0x14];
	[sflag:s17] =	ssyncadd.s32 $0xFFFFCE00  }
0x76: {  	[spmem:s2] =	stream.indirect.scatter.add.f32 [tilespmem:s14], [sflag:$0x5], $0x80, s7, s12, $0xb8;
	[tilespmem:$0x1F400] =	vst v63  }
0x77: {  	_ =	swait.ge [sflag:s18], $0x3200  }
0x78: {  	[sflag:s18] =	ssyncset.done $0x0  }
0x79: {  	s8 =	rddreg [dreg:$0x15];
	[sflag:s18] =	ssyncadd.s32 $0xFFFFCE00  }
0x7a: {  	[tilespmem:s13], [sflag:$0x1] =	stream.indirect.gather [hbm4b:s4+s12], $0x80, s8, s12, $0xb8;
	[tilespmem:$0x1F400] =	vst v63  }
0x7b: {  	_ =	swait.ge [sflag:s19], $0x3200  }
0x7c: {  	[sflag:s19] =	ssyncset.done $0x0  }
0x7d: {  	s9 =	rddreg [dreg:$0x16];
	[sflag:s19] =	ssyncadd.s32 $0xFFFFCE00  }
0x7e: {  	[spmem:s2] =	stream.indirect.scatter.add.f32 [tilespmem:s16], [sflag:$0x6], $0x80, s9, s12, $0xb8;
	[tilespmem:$0x1F400] =	vst v63  }
0x7f: {  	_ =	swait.ge [sflag:s20], $0x3200  }
0x80: {  	[sflag:s20] =	ssyncset.done $0x0  }
0x81: {  	s7 =	rddreg [dreg:$0x17];
	[sflag:s20] =	ssyncadd.s32 $0xFFFFCE00  }
0x82: {  	[tilespmem:s14], [sflag:$0x2] =	stream.indirect.gather [hbm4b:s4+s12], $0x80, s7, s12, $0xb8;
	[tilespmem:$0x1F400] =	vst v63  }
0x83: {  	_ =	swait.ge [sflag:s15], $0x3200  }
0x84: {  	[sflag:s15] =	ssyncset.done $0x0  }
0x85: {  	s8 =	rddreg [dreg:$0x18];
	[sflag:s15] =	ssyncadd.s32 $0xFFFFCE00  }
0x86: {  	[spmem:s2] =	stream.indirect.scatter.add.f32 [tilespmem:s13], [sflag:$0x4], $0x80, s8, s12, $0xb8;
	[tilespmem:$0x1F400] =	vst v63  }
0x87: {  	_ =	swait.ge [sflag:s21], $0x3200  }
0x88: {  	[sflag:s21] =	ssyncset.done $0x0  }
0x89: {  	s9 =	rddreg [dreg:$0x19];
	[sflag:s21] =	ssyncadd.s32 $0xFFFFCE00  }
0x8a: {  	[tilespmem:s16], [sflag:$0x3] =	stream.indirect.gather [hbm4b:s4+s12], $0x80, s9, s12, $0xb8;
	[tilespmem:$0x1F400] =	vst v63  }
0x8b: {  	_ =	swait.ge [sflag:s17], $0x3200  }
0x8c: {  	[sflag:s17] =	ssyncset.done $0x0  }
0x8d: {  	s7 =	rddreg [dreg:$0x1a];
	[sflag:s17] =	ssyncadd.s32 $0xFFFFCE00  }
0x8e: {  	[spmem:s2] =	stream.indirect.scatter.add.f32 [tilespmem:s14], [sflag:$0x5], $0x80, s7, s12, $0xb8;
	[tilespmem:$0x1F400] =	vst v63  }
0x8f: {  	_ =	swait.ge [sflag:s18], $0x3200  }
0x90: {  	[sflag:s18] =	ssyncset.done $0x0  }
0x91: {  	s8 =	rddreg [dreg:$0x1b];
	[sflag:s18] =	ssyncadd.s32 $0xFFFFCE00  }
0x92: {  	[tilespmem:s13], [sflag:$0x1] =	stream.indirect.gather [hbm4b:s4+s12], $0x80, s8, s12, $0xb8;
	[tilespmem:$0x1F400] =	vst v63  }
0x93: {  	_ =	swait.ge [sflag:s19], $0x3200  }
0x94: {  	[sflag:s19] =	ssyncset.done $0x0  }
0x95: {  	s9 =	rddreg [dreg:$0x1c];
	[sflag:s19] =	ssyncadd.s32 $0xFFFFCE00  }
0x96: {  	[spmem:s2] =	stream.indirect.scatter.add.f32 [tilespmem:s16], [sflag:$0x6], $0x80, s9, s12, $0xb8;
	[tilespmem:$0x1F400] =	vst v63  }
0x97: {  	_ =	swait.ge [sflag:s20], $0x3200  }
0x98: {  	[sflag:s20] =	ssyncset.done $0x0  }
0x99: {  	s7 =	rddreg [dreg:$0x1d];
	[sflag:s20] =	ssyncadd.s32 $0xFFFFCE00  }
0x9a: {  	[tilespmem:s14], [sflag:$0x2] =	stream.indirect.gather [hbm4b:s4+s12], $0x80, s7, s12, $0xb8;
	[tilespmem:$0x1F400] =	vst v63  }
0x9b: {  	_ =	swait.ge [sflag:s15], $0x3200  }
0x9c: {  	[sflag:s15] =	ssyncset.done $0x0  }
0x9d: {  	s8 =	rddreg [dreg:$0x1e];
	[sflag:s15] =	ssyncadd.s32 $0xFFFFCE00  }
0x9e: {  	[spmem:s2] =	stream.indirect.scatter.add.f32 [tilespmem:s13], [sflag:$0x4], $0x80, s8, s12, $0xb8;
	[tilespmem:$0x1F400] =	vst v63  }
0x9f: {  	_ =	swait.ge [sflag:s21], $0x3200  }
0xa0: {  	[sflag:s21] =	ssyncset.done $0x0  }
0xa1: {  	s9 =	rddreg [dreg:$0x1f];
	[sflag:s21] =	ssyncadd.s32 $0xFFFFCE00  }
0xa2: {  	[tilespmem:s16], [sflag:$0x3] =	stream.indirect.gather [hbm4b:s4+s12], $0x80, s9, s12, $0xb8;
	[tilespmem:$0x1F400] =	vst v63  }
0xa3: {  	_ =	swait.ge [sflag:s17], $0x3200  }
0xa4: {  	[sflag:s17] =	ssyncset.done $0x0  }
0xa5: {  	[sflag:s17] =	ssyncadd.s32 $0xFFFFCE00  }
0xa6: {  	[spmem:s2] =	stream.indirect.scatter.add.f32 [tilespmem:s14], [sflag:$0x5], $0x80, s22, s12, $0xb8;
	[tilespmem:$0x1F400] =	vst v63  }
0xa7: {  	_ =	swait.ge [sflag:s18], $0x3200  }
0xa8: {  	[sflag:s18] =	ssyncset.done $0x0  }
0xa9: {  	[sflag:s18] =	ssyncadd.s32 $0xFFFFCE00  }
0xaa: {  	[tilespmem:s13], [sflag:$0x1] =	stream.indirect.gather [hbm4b:s4+s12], $0x80, s23, s12, $0xb8;
	[tilespmem:$0x1F400] =	vst v63  }
0xab: {  	_ =	swait.ge [sflag:s19], $0x3200  }
0xac: {  	[sflag:s19] =	ssyncset.done $0x0  }
0xad: {  	[sflag:s19] =	ssyncadd.s32 $0xFFFFCE00  }
0xae: {  	[spmem:s2] =	stream.indirect.scatter.add.f32 [tilespmem:s16], [sflag:$0x6], $0x80, s24, s12, $0xb8;
	[tilespmem:$0x1F400] =	vst v63  }
0xaf: {  	_ =	swait.ge [sflag:s20], $0x3200  }
0xb0: {  	[sflag:s20] =	ssyncset.done $0x0  }
0xb1: {  	[sflag:s20] =	ssyncadd.s32 $0xFFFFCE00  }
0xb2: {  	[tilespmem:s14], [sflag:$0x2] =	stream.indirect.gather [hbm4b:s4+s12], $0x80, s25, s12, $0xb8;
	[tilespmem:$0x1F400] =	vst v63  }
0xb3: {  	_ =	swait.ge [sflag:s15], $0x3200  }
0xb4: {  	[sflag:s15] =	ssyncset.done $0x0  }
0xb5: {  	[sflag:s15] =	ssyncadd.s32 $0xFFFFCE00  }
0xb6: {  	[spmem:s2] =	stream.indirect.scatter.add.f32 [tilespmem:s13], [sflag:$0x4], $0x80, s26, s12, $0xb8;
	[tilespmem:$0x1F400] =	vst v63  }
0xb7: {  	_ =	swait.ge [sflag:s21], $0x3200  }
0xb8: {  	[sflag:s21] =	ssyncset.done $0x0  }
0xb9: {  	[sflag:s21] =	ssyncadd.s32 $0xFFFFCE00  }
0xba: {  	[tilespmem:s16], [sflag:$0x3] =	stream.indirect.gather [hbm4b:s4+s12], $0x80, s28, s12, $0xb8;
	[tilespmem:$0x1F400] =	vst v63  }
0xbb: {  	_ =	swait.ge [sflag:s17], $0x3200  }
0xbc: {  	[sflag:s17] =	ssyncset.done $0x0  }
0xbd: {  	[sflag:s17] =	ssyncadd.s32 $0xFFFFCE00  }
0xbe: {  	[spmem:s2] =	stream.indirect.scatter.add.f32 [tilespmem:s14], [sflag:$0x5], $0x80, s29, s12, $0xb8;
	[tilespmem:$0x1F400] =	vst v63  }
0xbf: {  	_ =	swait.ge [sflag:s18], $0x3200  }
0xc0: {  	[sflag:s18] =	ssyncset.done $0x0  }
0xc1: {  	[sflag:s18] =	ssyncadd.s32 $0xFFFFCE00  }
0xc2: {  	[tilespmem:s13], [sflag:$0x1] =	stream.indirect.gather [hbm4b:s4+s12], $0x80, s30, s12, $0xb8;
	[tilespmem:$0x1F400] =	vst v63  }
0xc3: {  	_ =	swait.ge [sflag:s19], $0x3200  }
0xc4: {  	[sflag:s19] =	ssyncset.done $0x0  }
0xc5: {  	[sflag:s19] =	ssyncadd.s32 $0xFFFFCE00  }
0xc6: {  	[spmem:s2] =	stream.indirect.scatter.add.f32 [tilespmem:s16], [sflag:$0x6], $0x80, s31, s12, $0xb8;
	[tilespmem:$0x1F400] =	vst v63  }
0xc7: {  	_ =	swait.ge [sflag:s20], $0x3200  }
0xc8: {  	[sflag:s20] =	ssyncset.done $0x0  }
0xc9: {  	[sflag:s20] =	ssyncadd.s32 $0xFFFFCE00  }
0xca: {  	[tilespmem:s14], [sflag:$0x2] =	stream.indirect.gather [hbm4b:s4+s12], $0x80, s1, s12, $0xb8;
	[tilespmem:$0x1F400] =	vst v63  }
0xcb: {  	_ =	swait.ge [sflag:s15], $0x3200  }
0xcc: {  	[sflag:s15] =	ssyncset.done $0x0  }
0xcd: {  	[sflag:s15] =	ssyncadd.s32 $0xFFFFCE00  }
0xce: {  	[spmem:s2] =	stream.indirect.scatter.add.f32 [tilespmem:s13], [sflag:$0x4], $0x80, s0, s12, $0xb8;
	[tilespmem:$0x1F400] =	vst v63  }
0xcf: {  	_ =	swait.ge [sflag:s21], $0x3200  }
0xd0: {  	[sflag:s21] =	ssyncset.done $0x0  }
0xd1: {  	[sflag:s21] =	ssyncadd.s32 $0xFFFFCE00  }
0xd2: {  	_ =	swait.ge [sflag:s17], $0x3200  }
0xd3: {  	[sflag:s17] =	ssyncset.done $0x0  }
0xd4: {  	[sflag:s17] =	ssyncadd.s32 $0xFFFFCE00  }
0xd5: {  	[spmem:s2] =	stream.indirect.scatter.add.f32 [tilespmem:s14], [sflag:$0x5], $0x80, s5, s12, $0xb8;
	[tilespmem:$0x1F400] =	vst v63  }
0xd6: {  	_ =	swait.ge [sflag:s18], $0x3200  }
0xd7: {  	[sflag:s18] =	ssyncset.done $0x0  }
0xd8: {  	[sflag:s18] =	ssyncadd.s32 $0xFFFFCE00  }
0xd9: {  	s6 =	simm.s32 $0x300;
	_ =	swait.ge [sflag:s20], $0x3200  }
0xda: {  	s8 =	simm.s32 $0x180;
	s9 =	rddreg [dreg:$0x5];
	[sflag:s20] =	ssyncset.done $0x0  }
.LBB2_2:
0xdb: {  	[sflag:s20] =	ssyncadd.s32 $0xFFFFCE00;
	s9 =	sadd.s32 s8, s9  }
0xdc: {  	[tilespmem:s3], [sflag:$0x7] =	stream.linear.gather [hbm4b:s9+s3], $0xA00, $0x38;
	[tilespmem:$0x1F400] =	vst v63  }
0xdd: {  	_ =	swait.ge [sflag:s10], $0xA00  }
0xde: {  	s9 =	rddreg [dreg:$0x4];
	[sflag:s10] =	ssyncset.done $0x0  }
0xdf: {  	[sflag:s10] =	ssyncadd.s32 $0xFFFFF600;
	s9 =	sadd.s32 s8, s9  }
0xe0: {  	[tilespmem:s11], [sflag:$0x7] =	stream.linear.gather [hbm4b:s9+s3], $0xA00, $0x38;
	[tilespmem:$0x1F400] =	vst v63  }
0xe1: {  	_ =	swait.ge [sflag:s10], $0xA00  }
0xe2: {  	[sflag:s10] =	ssyncset.done $0x0  }
0xe3: {  	[sflag:s10] =	ssyncadd.s32 $0xFFFFF600  }
0xe4: {  	[tilespmem:s13], [sflag:$0x1] =	stream.indirect.gather [hbm4b:s4+s12], $0x80, s3, s12, $0xb8;
	[tilespmem:$0x1F400] =	vst v63  }
0xe5: {  	s9 =	rddreg [dreg:$0x6]  }
0xe6: {  	[tilespmem:s14], [sflag:$0x2] =	stream.indirect.gather [hbm4b:s4+s12], $0x80, s9, s12, $0xb8;
	[tilespmem:$0x1F400] =	vst v63  }
0xe7: {  	_ =	swait.ge [sflag:s15], $0x3200  }
0xe8: {  	[sflag:s15] =	ssyncset.done $0x0  }
0xe9: {  	[sflag:s15] =	ssyncadd.s32 $0xFFFFCE00  }
0xea: {  	[spmem:s2] =	stream.indirect.scatter.add.f32 [tilespmem:s13], [sflag:$0x4], $0x80, s11, s12, $0xb8;
	[tilespmem:$0x1F400] =	vst v63  }
0xeb: {  	s9 =	rddreg [dreg:$0x7]  }
0xec: {  	[tilespmem:s16], [sflag:$0x3] =	stream.indirect.gather [hbm4b:s4+s12], $0x80, s9, s12, $0xb8;
	[tilespmem:$0x1F400] =	vst v63  }
0xed: {  	_ =	swait.ge [sflag:s17], $0x3200  }
0xee: {  	[sflag:s17] =	ssyncset.done $0x0  }
0xef: {  	s9 =	rddreg [dreg:$0x8];
	[sflag:s17] =	ssyncadd.s32 $0xFFFFCE00  }
0xf0: {  	[spmem:s2] =	stream.indirect.scatter.add.f32 [tilespmem:s14], [sflag:$0x5], $0x80, s9, s12, $0xb8;
	[tilespmem:$0x1F400] =	vst v63  }
0xf1: {  	_ =	swait.ge [sflag:s18], $0x3200  }
0xf2: {  	[sflag:s18] =	ssyncset.done $0x0  }
0xf3: {  	s9 =	rddreg [dreg:$0x9];
	[sflag:s18] =	ssyncadd.s32 $0xFFFFCE00  }
0xf4: {  	[tilespmem:s13], [sflag:$0x1] =	stream.indirect.gather [hbm4b:s4+s12], $0x80, s9, s12, $0xb8;
	[tilespmem:$0x1F400] =	vst v63  }
0xf5: {  	_ =	swait.ge [sflag:s19], $0x3200  }
0xf6: {  	[sflag:s19] =	ssyncset.done $0x0  }
0xf7: {  	s9 =	rddreg [dreg:$0xa];
	[sflag:s19] =	ssyncadd.s32 $0xFFFFCE00  }
0xf8: {  	[spmem:s2] =	stream.indirect.scatter.add.f32 [tilespmem:s16], [sflag:$0x6], $0x80, s9, s12, $0xb8;
	[tilespmem:$0x1F400] =	vst v63  }
0xf9: {  	_ =	swait.ge [sflag:s20], $0x3200  }
0xfa: {  	[sflag:s20] =	ssyncset.done $0x0  }
0xfb: {  	s9 =	rddreg [dreg:$0xb];
	[sflag:s20] =	ssyncadd.s32 $0xFFFFCE00  }
0xfc: {  	[tilespmem:s14], [sflag:$0x2] =	stream.indirect.gather [hbm4b:s4+s12], $0x80, s9, s12, $0xb8;
	[tilespmem:$0x1F400] =	vst v63  }
0xfd: {  	_ =	swait.ge [sflag:s15], $0x3200  }
0xfe: {  	[sflag:s15] =	ssyncset.done $0x0  }
0xff: {  	s9 =	rddreg [dreg:$0xc];
	[sflag:s15] =	ssyncadd.s32 $0xFFFFCE00  }
0x100: {  	[spmem:s2] =	stream.indirect.scatter.add.f32 [tilespmem:s13], [sflag:$0x4], $0x80, s9, s12, $0xb8;
	[tilespmem:$0x1F400] =	vst v63  }
0x101: {  	_ =	swait.ge [sflag:s21], $0x3200  }
0x102: {  	[sflag:s21] =	ssyncset.done $0x0  }
0x103: {  	s9 =	rddreg [dreg:$0xd];
	[sflag:s21] =	ssyncadd.s32 $0xFFFFCE00  }
0x104: {  	[tilespmem:s16], [sflag:$0x3] =	stream.indirect.gather [hbm4b:s4+s12], $0x80, s9, s12, $0xb8;
	[tilespmem:$0x1F400] =	vst v63  }
0x105: {  	_ =	swait.ge [sflag:s17], $0x3200  }
0x106: {  	[sflag:s17] =	ssyncset.done $0x0  }
0x107: {  	s9 =	rddreg [dreg:$0xe];
	[sflag:s17] =	ssyncadd.s32 $0xFFFFCE00  }
0x108: {  	[spmem:s2] =	stream.indirect.scatter.add.f32 [tilespmem:s14], [sflag:$0x5], $0x80, s9, s12, $0xb8;
	[tilespmem:$0x1F400] =	vst v63  }
0x109: {  	_ =	swait.ge [sflag:s18], $0x3200  }
0x10a: {  	[sflag:s18] =	ssyncset.done $0x0  }
0x10b: {  	s9 =	rddreg [dreg:$0xf];
	[sflag:s18] =	ssyncadd.s32 $0xFFFFCE00  }
0x10c: {  	[tilespmem:s13], [sflag:$0x1] =	stream.indirect.gather [hbm4b:s4+s12], $0x80, s9, s12, $0xb8;
	[tilespmem:$0x1F400] =	vst v63  }
0x10d: {  	_ =	swait.ge [sflag:s19], $0x3200  }
0x10e: {  	[sflag:s19] =	ssyncset.done $0x0  }
0x10f: {  	s9 =	rddreg [dreg:$0x10];
	[sflag:s19] =	ssyncadd.s32 $0xFFFFCE00  }
0x110: {  	[spmem:s2] =	stream.indirect.scatter.add.f32 [tilespmem:s16], [sflag:$0x6], $0x80, s9, s12, $0xb8;
	[tilespmem:$0x1F400] =	vst v63  }
0x111: {  	_ =	swait.ge [sflag:s20], $0x3200  }
0x112: {  	[sflag:s20] =	ssyncset.done $0x0  }
0x113: {  	s9 =	rddreg [dreg:$0x11];
	[sflag:s20] =	ssyncadd.s32 $0xFFFFCE00  }
0x114: {  	[tilespmem:s14], [sflag:$0x2] =	stream.indirect.gather [hbm4b:s4+s12], $0x80, s9, s12, $0xb8;
	[tilespmem:$0x1F400] =	vst v63  }
0x115: {  	_ =	swait.ge [sflag:s15], $0x3200  }
0x116: {  	[sflag:s15] =	ssyncset.done $0x0  }
0x117: {  	s9 =	rddreg [dreg:$0x12];
	[sflag:s15] =	ssyncadd.s32 $0xFFFFCE00  }
0x118: {  	[spmem:s2] =	stream.indirect.scatter.add.f32 [tilespmem:s13], [sflag:$0x4], $0x80, s9, s12, $0xb8;
	[tilespmem:$0x1F400] =	vst v63  }
0x119: {  	_ =	swait.ge [sflag:s21], $0x3200  }
0x11a: {  	[sflag:s21] =	ssyncset.done $0x0  }
0x11b: {  	s9 =	rddreg [dreg:$0x13];
	[sflag:s21] =	ssyncadd.s32 $0xFFFFCE00  }
0x11c: {  	[tilespmem:s16], [sflag:$0x3] =	stream.indirect.gather [hbm4b:s4+s12], $0x80, s9, s12, $0xb8;
	[tilespmem:$0x1F400] =	vst v63  }
0x11d: {  	_ =	swait.ge [sflag:s17], $0x3200  }
0x11e: {  	[sflag:s17] =	ssyncset.done $0x0  }
0x11f: {  	s9 =	rddreg [dreg:$0x14];
	[sflag:s17] =	ssyncadd.s32 $0xFFFFCE00  }
0x120: {  	[spmem:s2] =	stream.indirect.scatter.add.f32 [tilespmem:s14], [sflag:$0x5], $0x80, s9, s12, $0xb8;
	[tilespmem:$0x1F400] =	vst v63  }
0x121: {  	_ =	swait.ge [sflag:s18], $0x3200  }
0x122: {  	[sflag:s18] =	ssyncset.done $0x0  }
0x123: {  	s9 =	rddreg [dreg:$0x15];
	[sflag:s18] =	ssyncadd.s32 $0xFFFFCE00  }
0x124: {  	[tilespmem:s13], [sflag:$0x1] =	stream.indirect.gather [hbm4b:s4+s12], $0x80, s9, s12, $0xb8;
	[tilespmem:$0x1F400] =	vst v63  }
0x125: {  	_ =	swait.ge [sflag:s19], $0x3200  }
0x126: {  	[sflag:s19] =	ssyncset.done $0x0  }
0x127: {  	s9 =	rddreg [dreg:$0x16];
	[sflag:s19] =	ssyncadd.s32 $0xFFFFCE00  }
0x128: {  	[spmem:s2] =	stream.indirect.scatter.add.f32 [tilespmem:s16], [sflag:$0x6], $0x80, s9, s12, $0xb8;
	[tilespmem:$0x1F400] =	vst v63  }
0x129: {  	_ =	swait.ge [sflag:s20], $0x3200  }
0x12a: {  	[sflag:s20] =	ssyncset.done $0x0  }
0x12b: {  	s9 =	rddreg [dreg:$0x17];
	[sflag:s20] =	ssyncadd.s32 $0xFFFFCE00  }
0x12c: {  	[tilespmem:s14], [sflag:$0x2] =	stream.indirect.gather [hbm4b:s4+s12], $0x80, s9, s12, $0xb8;
	[tilespmem:$0x1F400] =	vst v63  }
0x12d: {  	_ =	swait.ge [sflag:s15], $0x3200  }
0x12e: {  	[sflag:s15] =	ssyncset.done $0x0  }
0x12f: {  	s9 =	rddreg [dreg:$0x18];
	[sflag:s15] =	ssyncadd.s32 $0xFFFFCE00  }
0x130: {  	[spmem:s2] =	stream.indirect.scatter.add.f32 [tilespmem:s13], [sflag:$0x4], $0x80, s9, s12, $0xb8;
	[tilespmem:$0x1F400] =	vst v63  }
0x131: {  	_ =	swait.ge [sflag:s21], $0x3200  }
0x132: {  	[sflag:s21] =	ssyncset.done $0x0  }
0x133: {  	s9 =	rddreg [dreg:$0x19];
	[sflag:s21] =	ssyncadd.s32 $0xFFFFCE00  }
0x134: {  	[tilespmem:s16], [sflag:$0x3] =	stream.indirect.gather [hbm4b:s4+s12], $0x80, s9, s12, $0xb8;
	[tilespmem:$0x1F400] =	vst v63  }
0x135: {  	_ =	swait.ge [sflag:s17], $0x3200  }
0x136: {  	[sflag:s17] =	ssyncset.done $0x0  }
0x137: {  	s9 =	rddreg [dreg:$0x1a];
	[sflag:s17] =	ssyncadd.s32 $0xFFFFCE00  }
0x138: {  	[spmem:s2] =	stream.indirect.scatter.add.f32 [tilespmem:s14], [sflag:$0x5], $0x80, s9, s12, $0xb8;
	[tilespmem:$0x1F400] =	vst v63  }
0x139: {  	_ =	swait.ge [sflag:s18], $0x3200  }
0x13a: {  	[sflag:s18] =	ssyncset.done $0x0  }
0x13b: {  	s9 =	rddreg [dreg:$0x1b];
	[sflag:s18] =	ssyncadd.s32 $0xFFFFCE00  }
0x13c: {  	[tilespmem:s13], [sflag:$0x1] =	stream.indirect.gather [hbm4b:s4+s12], $0x80, s9, s12, $0xb8;
	[tilespmem:$0x1F400] =	vst v63  }
0x13d: {  	_ =	swait.ge [sflag:s19], $0x3200  }
0x13e: {  	[sflag:s19] =	ssyncset.done $0x0  }
0x13f: {  	s9 =	rddreg [dreg:$0x1c];
	[sflag:s19] =	ssyncadd.s32 $0xFFFFCE00  }
0x140: {  	[spmem:s2] =	stream.indirect.scatter.add.f32 [tilespmem:s16], [sflag:$0x6], $0x80, s9, s12, $0xb8;
	[tilespmem:$0x1F400] =	vst v63  }
0x141: {  	_ =	swait.ge [sflag:s20], $0x3200  }
0x142: {  	[sflag:s20] =	ssyncset.done $0x0  }
0x143: {  	s9 =	rddreg [dreg:$0x1d];
	[sflag:s20] =	ssyncadd.s32 $0xFFFFCE00  }
0x144: {  	[tilespmem:s14], [sflag:$0x2] =	stream.indirect.gather [hbm4b:s4+s12], $0x80, s9, s12, $0xb8;
	[tilespmem:$0x1F400] =	vst v63  }
0x145: {  	_ =	swait.ge [sflag:s15], $0x3200  }
0x146: {  	[sflag:s15] =	ssyncset.done $0x0  }
0x147: {  	s9 =	rddreg [dreg:$0x1e];
	[sflag:s15] =	ssyncadd.s32 $0xFFFFCE00  }
0x148: {  	[spmem:s2] =	stream.indirect.scatter.add.f32 [tilespmem:s13], [sflag:$0x4], $0x80, s9, s12, $0xb8;
	[tilespmem:$0x1F400] =	vst v63  }
0x149: {  	_ =	swait.ge [sflag:s21], $0x3200  }
0x14a: {  	[sflag:s21] =	ssyncset.done $0x0  }
0x14b: {  	s9 =	rddreg [dreg:$0x1f];
	[sflag:s21] =	ssyncadd.s32 $0xFFFFCE00  }
0x14c: {  	[tilespmem:s16], [sflag:$0x3] =	stream.indirect.gather [hbm4b:s4+s12], $0x80, s9, s12, $0xb8;
	[tilespmem:$0x1F400] =	vst v63  }
0x14d: {  	_ =	swait.ge [sflag:s17], $0x3200  }
0x14e: {  	[sflag:s17] =	ssyncset.done $0x0  }
0x14f: {  	[sflag:s17] =	ssyncadd.s32 $0xFFFFCE00  }
0x150: {  	[spmem:s2] =	stream.indirect.scatter.add.f32 [tilespmem:s14], [sflag:$0x5], $0x80, s22, s12, $0xb8;
	[tilespmem:$0x1F400] =	vst v63  }
0x151: {  	_ =	swait.ge [sflag:s18], $0x3200  }
0x152: {  	[sflag:s18] =	ssyncset.done $0x0  }
0x153: {  	[sflag:s18] =	ssyncadd.s32 $0xFFFFCE00  }
0x154: {  	[tilespmem:s13], [sflag:$0x1] =	stream.indirect.gather [hbm4b:s4+s12], $0x80, s23, s12, $0xb8;
	[tilespmem:$0x1F400] =	vst v63  }
0x155: {  	_ =	swait.ge [sflag:s19], $0x3200  }
0x156: {  	[sflag:s19] =	ssyncset.done $0x0  }
0x157: {  	[sflag:s19] =	ssyncadd.s32 $0xFFFFCE00  }
0x158: {  	[spmem:s2] =	stream.indirect.scatter.add.f32 [tilespmem:s16], [sflag:$0x6], $0x80, s24, s12, $0xb8;
	[tilespmem:$0x1F400] =	vst v63  }
0x159: {  	_ =	swait.ge [sflag:s20], $0x3200  }
0x15a: {  	[sflag:s20] =	ssyncset.done $0x0  }
0x15b: {  	[sflag:s20] =	ssyncadd.s32 $0xFFFFCE00  }
0x15c: {  	[tilespmem:s14], [sflag:$0x2] =	stream.indirect.gather [hbm4b:s4+s12], $0x80, s25, s12, $0xb8;
	[tilespmem:$0x1F400] =	vst v63  }
0x15d: {  	_ =	swait.ge [sflag:s15], $0x3200  }
0x15e: {  	[sflag:s15] =	ssyncset.done $0x0  }
0x15f: {  	[sflag:s15] =	ssyncadd.s32 $0xFFFFCE00  }
0x160: {  	[spmem:s2] =	stream.indirect.scatter.add.f32 [tilespmem:s13], [sflag:$0x4], $0x80, s26, s12, $0xb8;
	[tilespmem:$0x1F400] =	vst v63  }
0x161: {  	_ =	swait.ge [sflag:s21], $0x3200  }
0x162: {  	[sflag:s21] =	ssyncset.done $0x0  }
0x163: {  	[sflag:s21] =	ssyncadd.s32 $0xFFFFCE00  }
0x164: {  	[tilespmem:s16], [sflag:$0x3] =	stream.indirect.gather [hbm4b:s4+s12], $0x80, s28, s12, $0xb8;
	[tilespmem:$0x1F400] =	vst v63  }
0x165: {  	_ =	swait.ge [sflag:s17], $0x3200  }
0x166: {  	[sflag:s17] =	ssyncset.done $0x0  }
0x167: {  	[sflag:s17] =	ssyncadd.s32 $0xFFFFCE00  }
0x168: {  	[spmem:s2] =	stream.indirect.scatter.add.f32 [tilespmem:s14], [sflag:$0x5], $0x80, s29, s12, $0xb8;
	[tilespmem:$0x1F400] =	vst v63  }
0x169: {  	_ =	swait.ge [sflag:s18], $0x3200  }
0x16a: {  	[sflag:s18] =	ssyncset.done $0x0  }
0x16b: {  	[sflag:s18] =	ssyncadd.s32 $0xFFFFCE00  }
0x16c: {  	[tilespmem:s13], [sflag:$0x1] =	stream.indirect.gather [hbm4b:s4+s12], $0x80, s30, s12, $0xb8;
	[tilespmem:$0x1F400] =	vst v63  }
0x16d: {  	_ =	swait.ge [sflag:s19], $0x3200  }
0x16e: {  	[sflag:s19] =	ssyncset.done $0x0  }
0x16f: {  	[sflag:s19] =	ssyncadd.s32 $0xFFFFCE00  }
0x170: {  	[spmem:s2] =	stream.indirect.scatter.add.f32 [tilespmem:s16], [sflag:$0x6], $0x80, s31, s12, $0xb8;
	[tilespmem:$0x1F400] =	vst v63  }
0x171: {  	_ =	swait.ge [sflag:s20], $0x3200  }
0x172: {  	[sflag:s20] =	ssyncset.done $0x0  }
0x173: {  	[sflag:s20] =	ssyncadd.s32 $0xFFFFCE00  }
0x174: {  	[tilespmem:s14], [sflag:$0x2] =	stream.indirect.gather [hbm4b:s4+s12], $0x80, s1, s12, $0xb8;
	[tilespmem:$0x1F400] =	vst v63  }
0x175: {  	_ =	swait.ge [sflag:s15], $0x3200  }
0x176: {  	[sflag:s15] =	ssyncset.done $0x0  }
0x177: {  	[sflag:s15] =	ssyncadd.s32 $0xFFFFCE00  }
0x178: {  	[spmem:s2] =	stream.indirect.scatter.add.f32 [tilespmem:s13], [sflag:$0x4], $0x80, s0, s12, $0xb8;
	[tilespmem:$0x1F400] =	vst v63  }
0x179: {  	_ =	swait.ge [sflag:s21], $0x3200  }
0x17a: {  	[sflag:s21] =	ssyncset.done $0x0  }
0x17b: {  	[sflag:s21] =	ssyncadd.s32 $0xFFFFCE00  }
0x17c: {  	_ =	swait.ge [sflag:s17], $0x3200  }
0x17d: {  	[sflag:s17] =	ssyncset.done $0x0  }
0x17e: {  	p0 =	sne.s32 s6, $0x600;
	[sflag:s17] =	ssyncadd.s32 $0xFFFFCE00  }
0x17f: {  	[spmem:s2] =	stream.indirect.scatter.add.f32 [tilespmem:s14], [sflag:$0x5], $0x80, s5, s12, $0xb8;
	[tilespmem:$0x1F400] =	vst v63  }
.Ltmp0:
0x180: {  	_ =	swait.ge [sflag:s18], $0x3200;
	(pc) =	sbr.rel @p0 .LBB2_2-.Ltmp0, $4  }
0x181: {  	[sflag:s18] =	ssyncset.done $0x0  }
0x182: {  	[sflag:s18] =	ssyncadd.s32 $0xFFFFCE00  }
0x183: {  	s7 =	smov.u32 s6;
	s6 =	sadd.s32 $0x180, s6;
	_ =	swait.ge [sflag:s20], $0x3200  }
0x184: {  	s8 =	smov.u32 s7;
	s9 =	rddreg [dreg:$0x5];
	[sflag:s20] =	ssyncset.done $0x0  }
0x185: {  	[sflag:s20] =	ssyncadd.s32 $0xFFFFCE00;
	s6 =	sadd.s32 s8, s9  }
0x186: {  	[tilespmem:s3], [sflag:$0x7] =	stream.linear.gather [hbm4b:s6+s3], $0xA00, $0x38;
	[tilespmem:$0x1F400] =	vst v63  }
0x187: {  	_ =	swait.ge [sflag:s10], $0xA00  }
0x188: {  	s9 =	rddreg [dreg:$0x4];
	[sflag:s10] =	ssyncset.done $0x0  }
0x189: {  	s6 =	sadd.s32 s8, s9;
	[sflag:s10] =	ssyncadd.s32 $0xFFFFF600  }
0x18a: {  	[tilespmem:s11], [sflag:$0x7] =	stream.linear.gather [hbm4b:s6+s3], $0xA00, $0x38;
	[tilespmem:$0x1F400] =	vst v63  }
0x18b: {  	_ =	swait.ge [sflag:s10], $0xA00  }
0x18c: {  	[sflag:s10] =	ssyncset.done $0x0  }
0x18d: {  	[sflag:s10] =	ssyncadd.s32 $0xFFFFF600  }
0x18e: {  	[tilespmem:s13], [sflag:$0x1] =	stream.indirect.gather [hbm4b:s4+s12], $0x80, s3, s12, $0xb8;
	[tilespmem:$0x1F400] =	vst v63  }
0x18f: {  	s7 =	rddreg [dreg:$0x6]  }
0x190: {  	[tilespmem:s14], [sflag:$0x2] =	stream.indirect.gather [hbm4b:s4+s12], $0x80, s7, s12, $0xb8;
	[tilespmem:$0x1F400] =	vst v63  }
0x191: {  	_ =	swait.ge [sflag:s15], $0x3200  }
0x192: {  	[sflag:s15] =	ssyncset.done $0x0  }
0x193: {  	[sflag:s15] =	ssyncadd.s32 $0xFFFFCE00  }
0x194: {  	[spmem:s2] =	stream.indirect.scatter.add.f32 [tilespmem:s13], [sflag:$0x4], $0x80, s11, s12, $0xb8;
	[tilespmem:$0x1F400] =	vst v63  }
0x195: {  	s8 =	rddreg [dreg:$0x7]  }
0x196: {  	[tilespmem:s16], [sflag:$0x3] =	stream.indirect.gather [hbm4b:s4+s12], $0x80, s8, s12, $0xb8;
	[tilespmem:$0x1F400] =	vst v63  }
0x197: {  	_ =	swait.ge [sflag:s17], $0x3200  }
0x198: {  	[sflag:s17] =	ssyncset.done $0x0  }
0x199: {  	s9 =	rddreg [dreg:$0x8];
	[sflag:s17] =	ssyncadd.s32 $0xFFFFCE00  }
0x19a: {  	[spmem:s2] =	stream.indirect.scatter.add.f32 [tilespmem:s14], [sflag:$0x5], $0x80, s9, s12, $0xb8;
	[tilespmem:$0x1F400] =	vst v63  }
0x19b: {  	_ =	swait.ge [sflag:s18], $0x3200  }
0x19c: {  	[sflag:s18] =	ssyncset.done $0x0  }
0x19d: {  	s7 =	rddreg [dreg:$0x9];
	[sflag:s18] =	ssyncadd.s32 $0xFFFFCE00  }
0x19e: {  	[tilespmem:s13], [sflag:$0x1] =	stream.indirect.gather [hbm4b:s4+s12], $0x80, s7, s12, $0xb8;
	[tilespmem:$0x1F400] =	vst v63  }
0x19f: {  	_ =	swait.ge [sflag:s19], $0x3200  }
0x1a0: {  	[sflag:s19] =	ssyncset.done $0x0  }
0x1a1: {  	s8 =	rddreg [dreg:$0xa];
	[sflag:s19] =	ssyncadd.s32 $0xFFFFCE00  }
0x1a2: {  	[spmem:s2] =	stream.indirect.scatter.add.f32 [tilespmem:s16], [sflag:$0x6], $0x80, s8, s12, $0xb8;
	[tilespmem:$0x1F400] =	vst v63  }
0x1a3: {  	_ =	swait.ge [sflag:s20], $0x3200  }
0x1a4: {  	[sflag:s20] =	ssyncset.done $0x0  }
0x1a5: {  	s9 =	rddreg [dreg:$0xb];
	[sflag:s20] =	ssyncadd.s32 $0xFFFFCE00  }
0x1a6: {  	[tilespmem:s14], [sflag:$0x2] =	stream.indirect.gather [hbm4b:s4+s12], $0x80, s9, s12, $0xb8;
	[tilespmem:$0x1F400] =	vst v63  }
0x1a7: {  	_ =	swait.ge [sflag:s15], $0x3200  }
0x1a8: {  	[sflag:s15] =	ssyncset.done $0x0  }
0x1a9: {  	s7 =	rddreg [dreg:$0xc];
	[sflag:s15] =	ssyncadd.s32 $0xFFFFCE00  }
0x1aa: {  	[spmem:s2] =	stream.indirect.scatter.add.f32 [tilespmem:s13], [sflag:$0x4], $0x80, s7, s12, $0xb8;
	[tilespmem:$0x1F400] =	vst v63  }
0x1ab: {  	_ =	swait.ge [sflag:s21], $0x3200  }
0x1ac: {  	[sflag:s21] =	ssyncset.done $0x0  }
0x1ad: {  	s8 =	rddreg [dreg:$0xd];
	[sflag:s21] =	ssyncadd.s32 $0xFFFFCE00  }
0x1ae: {  	[tilespmem:s16], [sflag:$0x3] =	stream.indirect.gather [hbm4b:s4+s12], $0x80, s8, s12, $0xb8;
	[tilespmem:$0x1F400] =	vst v63  }
0x1af: {  	_ =	swait.ge [sflag:s17], $0x3200  }
0x1b0: {  	[sflag:s17] =	ssyncset.done $0x0  }
0x1b1: {  	s9 =	rddreg [dreg:$0xe];
	[sflag:s17] =	ssyncadd.s32 $0xFFFFCE00  }
0x1b2: {  	[spmem:s2] =	stream.indirect.scatter.add.f32 [tilespmem:s14], [sflag:$0x5], $0x80, s9, s12, $0xb8;
	[tilespmem:$0x1F400] =	vst v63  }
0x1b3: {  	_ =	swait.ge [sflag:s18], $0x3200  }
0x1b4: {  	[sflag:s18] =	ssyncset.done $0x0  }
0x1b5: {  	s7 =	rddreg [dreg:$0xf];
	[sflag:s18] =	ssyncadd.s32 $0xFFFFCE00  }
0x1b6: {  	[tilespmem:s13], [sflag:$0x1] =	stream.indirect.gather [hbm4b:s4+s12], $0x80, s7, s12, $0xb8;
	[tilespmem:$0x1F400] =	vst v63  }
0x1b7: {  	_ =	swait.ge [sflag:s19], $0x3200  }
0x1b8: {  	[sflag:s19] =	ssyncset.done $0x0  }
0x1b9: {  	s8 =	rddreg [dreg:$0x10];
	[sflag:s19] =	ssyncadd.s32 $0xFFFFCE00  }
0x1ba: {  	[spmem:s2] =	stream.indirect.scatter.add.f32 [tilespmem:s16], [sflag:$0x6], $0x80, s8, s12, $0xb8;
	[tilespmem:$0x1F400] =	vst v63  }
0x1bb: {  	_ =	swait.ge [sflag:s20], $0x3200  }
0x1bc: {  	[sflag:s20] =	ssyncset.done $0x0  }
0x1bd: {  	s9 =	rddreg [dreg:$0x11];
	[sflag:s20] =	ssyncadd.s32 $0xFFFFCE00  }
0x1be: {  	[tilespmem:s14], [sflag:$0x2] =	stream.indirect.gather [hbm4b:s4+s12], $0x80, s9, s12, $0xb8;
	[tilespmem:$0x1F400] =	vst v63  }
0x1bf: {  	_ =	swait.ge [sflag:s15], $0x3200  }
0x1c0: {  	[sflag:s15] =	ssyncset.done $0x0  }
0x1c1: {  	s7 =	rddreg [dreg:$0x12];
	[sflag:s15] =	ssyncadd.s32 $0xFFFFCE00  }
0x1c2: {  	[spmem:s2] =	stream.indirect.scatter.add.f32 [tilespmem:s13], [sflag:$0x4], $0x80, s7, s12, $0xb8;
	[tilespmem:$0x1F400] =	vst v63  }
0x1c3: {  	_ =	swait.ge [sflag:s21], $0x3200  }
0x1c4: {  	[sflag:s21] =	ssyncset.done $0x0  }
0x1c5: {  	s8 =	rddreg [dreg:$0x13];
	[sflag:s21] =	ssyncadd.s32 $0xFFFFCE00  }
0x1c6: {  	[tilespmem:s16], [sflag:$0x3] =	stream.indirect.gather [hbm4b:s4+s12], $0x80, s8, s12, $0xb8;
	[tilespmem:$0x1F400] =	vst v63  }
0x1c7: {  	_ =	swait.ge [sflag:s17], $0x3200  }
0x1c8: {  	[sflag:s17] =	ssyncset.done $0x0  }
0x1c9: {  	s9 =	rddreg [dreg:$0x14];
	[sflag:s17] =	ssyncadd.s32 $0xFFFFCE00  }
0x1ca: {  	[spmem:s2] =	stream.indirect.scatter.add.f32 [tilespmem:s14], [sflag:$0x5], $0x80, s9, s12, $0xb8;
	[tilespmem:$0x1F400] =	vst v63  }
0x1cb: {  	_ =	swait.ge [sflag:s18], $0x3200  }
0x1cc: {  	[sflag:s18] =	ssyncset.done $0x0  }
0x1cd: {  	s7 =	rddreg [dreg:$0x15];
	[sflag:s18] =	ssyncadd.s32 $0xFFFFCE00  }
0x1ce: {  	[tilespmem:s13], [sflag:$0x1] =	stream.indirect.gather [hbm4b:s4+s12], $0x80, s7, s12, $0xb8;
	[tilespmem:$0x1F400] =	vst v63  }
0x1cf: {  	_ =	swait.ge [sflag:s19], $0x3200  }
0x1d0: {  	[sflag:s19] =	ssyncset.done $0x0  }
0x1d1: {  	s8 =	rddreg [dreg:$0x16];
	[sflag:s19] =	ssyncadd.s32 $0xFFFFCE00  }
0x1d2: {  	[spmem:s2] =	stream.indirect.scatter.add.f32 [tilespmem:s16], [sflag:$0x6], $0x80, s8, s12, $0xb8;
	[tilespmem:$0x1F400] =	vst v63  }
0x1d3: {  	_ =	swait.ge [sflag:s20], $0x3200  }
0x1d4: {  	[sflag:s20] =	ssyncset.done $0x0  }
0x1d5: {  	s9 =	rddreg [dreg:$0x17];
	[sflag:s20] =	ssyncadd.s32 $0xFFFFCE00  }
0x1d6: {  	[tilespmem:s14], [sflag:$0x2] =	stream.indirect.gather [hbm4b:s4+s12], $0x80, s9, s12, $0xb8;
	[tilespmem:$0x1F400] =	vst v63  }
0x1d7: {  	_ =	swait.ge [sflag:s15], $0x3200  }
0x1d8: {  	[sflag:s15] =	ssyncset.done $0x0  }
0x1d9: {  	s7 =	rddreg [dreg:$0x18];
	[sflag:s15] =	ssyncadd.s32 $0xFFFFCE00  }
0x1da: {  	[spmem:s2] =	stream.indirect.scatter.add.f32 [tilespmem:s13], [sflag:$0x4], $0x80, s7, s12, $0xb8;
	[tilespmem:$0x1F400] =	vst v63  }
0x1db: {  	_ =	swait.ge [sflag:s21], $0x3200  }
0x1dc: {  	[sflag:s21] =	ssyncset.done $0x0  }
0x1dd: {  	s8 =	rddreg [dreg:$0x19];
	[sflag:s21] =	ssyncadd.s32 $0xFFFFCE00  }
0x1de: {  	[tilespmem:s16], [sflag:$0x3] =	stream.indirect.gather [hbm4b:s4+s12], $0x80, s8, s12, $0xb8;
	[tilespmem:$0x1F400] =	vst v63  }
0x1df: {  	_ =	swait.ge [sflag:s17], $0x3200  }
0x1e0: {  	[sflag:s17] =	ssyncset.done $0x0  }
0x1e1: {  	s9 =	rddreg [dreg:$0x1a];
	[sflag:s17] =	ssyncadd.s32 $0xFFFFCE00  }
0x1e2: {  	[spmem:s2] =	stream.indirect.scatter.add.f32 [tilespmem:s14], [sflag:$0x5], $0x80, s9, s12, $0xb8;
	[tilespmem:$0x1F400] =	vst v63  }
0x1e3: {  	_ =	swait.ge [sflag:s18], $0x3200  }
0x1e4: {  	[sflag:s18] =	ssyncset.done $0x0  }
0x1e5: {  	s7 =	rddreg [dreg:$0x1b];
	[sflag:s18] =	ssyncadd.s32 $0xFFFFCE00  }
0x1e6: {  	[tilespmem:s13], [sflag:$0x1] =	stream.indirect.gather [hbm4b:s4+s12], $0x80, s7, s12, $0xb8;
	[tilespmem:$0x1F400] =	vst v63  }
0x1e7: {  	_ =	swait.ge [sflag:s19], $0x3200  }
0x1e8: {  	[sflag:s19] =	ssyncset.done $0x0  }
0x1e9: {  	s8 =	rddreg [dreg:$0x1c];
	[sflag:s19] =	ssyncadd.s32 $0xFFFFCE00  }
0x1ea: {  	[spmem:s2] =	stream.indirect.scatter.add.f32 [tilespmem:s16], [sflag:$0x6], $0x80, s8, s12, $0xb8;
	[tilespmem:$0x1F400] =	vst v63  }
0x1eb: {  	_ =	swait.ge [sflag:s20], $0x3200  }
0x1ec: {  	[sflag:s20] =	ssyncset.done $0x0  }
0x1ed: {  	s9 =	rddreg [dreg:$0x1d];
	[sflag:s20] =	ssyncadd.s32 $0xFFFFCE00  }
0x1ee: {  	[tilespmem:s14], [sflag:$0x2] =	stream.indirect.gather [hbm4b:s4+s12], $0x80, s9, s12, $0xb8;
	[tilespmem:$0x1F400] =	vst v63  }
0x1ef: {  	_ =	swait.ge [sflag:s15], $0x3200  }
0x1f0: {  	[sflag:s15] =	ssyncset.done $0x0  }
0x1f1: {  	s7 =	rddreg [dreg:$0x1e];
	[sflag:s15] =	ssyncadd.s32 $0xFFFFCE00  }
0x1f2: {  	[spmem:s2] =	stream.indirect.scatter.add.f32 [tilespmem:s13], [sflag:$0x4], $0x80, s7, s12, $0xb8;
	[tilespmem:$0x1F400] =	vst v63  }
0x1f3: {  	_ =	swait.ge [sflag:s21], $0x3200  }
0x1f4: {  	[sflag:s21] =	ssyncset.done $0x0  }
0x1f5: {  	s8 =	rddreg [dreg:$0x1f];
	[sflag:s21] =	ssyncadd.s32 $0xFFFFCE00  }
0x1f6: {  	[tilespmem:s16], [sflag:$0x3] =	stream.indirect.gather [hbm4b:s4+s12], $0x80, s8, s12, $0xb8;
	[tilespmem:$0x1F400] =	vst v63  }
0x1f7: {  	_ =	swait.ge [sflag:s17], $0x3200  }
0x1f8: {  	[sflag:s17] =	ssyncset.done $0x0  }
0x1f9: {  	[sflag:s17] =	ssyncadd.s32 $0xFFFFCE00  }
0x1fa: {  	[spmem:s2] =	stream.indirect.scatter.add.f32 [tilespmem:s14], [sflag:$0x5], $0x80, s22, s12, $0xb8;
	[tilespmem:$0x1F400] =	vst v63  }
0x1fb: {  	_ =	swait.ge [sflag:s18], $0x3200  }
0x1fc: {  	[sflag:s18] =	ssyncset.done $0x0  }
0x1fd: {  	[sflag:s18] =	ssyncadd.s32 $0xFFFFCE00  }
0x1fe: {  	[tilespmem:s13], [sflag:$0x1] =	stream.indirect.gather [hbm4b:s4+s12], $0x80, s23, s12, $0xb8;
	[tilespmem:$0x1F400] =	vst v63  }
0x1ff: {  	_ =	swait.ge [sflag:s19], $0x3200  }
0x200: {  	[sflag:s19] =	ssyncset.done $0x0  }
0x201: {  	[sflag:s19] =	ssyncadd.s32 $0xFFFFCE00  }
0x202: {  	[spmem:s2] =	stream.indirect.scatter.add.f32 [tilespmem:s16], [sflag:$0x6], $0x80, s24, s12, $0xb8;
	[tilespmem:$0x1F400] =	vst v63  }
0x203: {  	_ =	swait.ge [sflag:s20], $0x3200  }
0x204: {  	[sflag:s20] =	ssyncset.done $0x0  }
0x205: {  	[sflag:s20] =	ssyncadd.s32 $0xFFFFCE00  }
0x206: {  	[tilespmem:s14], [sflag:$0x2] =	stream.indirect.gather [hbm4b:s4+s12], $0x80, s25, s12, $0xb8;
	[tilespmem:$0x1F400] =	vst v63  }
0x207: {  	_ =	swait.ge [sflag:s15], $0x3200  }
0x208: {  	[sflag:s15] =	ssyncset.done $0x0  }
0x209: {  	[sflag:s15] =	ssyncadd.s32 $0xFFFFCE00  }
0x20a: {  	[spmem:s2] =	stream.indirect.scatter.add.f32 [tilespmem:s13], [sflag:$0x4], $0x80, s26, s12, $0xb8;
	[tilespmem:$0x1F400] =	vst v63  }
0x20b: {  	_ =	swait.ge [sflag:s21], $0x3200  }
0x20c: {  	[sflag:s21] =	ssyncset.done $0x0  }
0x20d: {  	[sflag:s21] =	ssyncadd.s32 $0xFFFFCE00  }
0x20e: {  	[tilespmem:s16], [sflag:$0x3] =	stream.indirect.gather [hbm4b:s4+s12], $0x80, s28, s12, $0xb8;
	[tilespmem:$0x1F400] =	vst v63  }
0x20f: {  	_ =	swait.ge [sflag:s17], $0x3200  }
0x210: {  	[sflag:s17] =	ssyncset.done $0x0  }
0x211: {  	[sflag:s17] =	ssyncadd.s32 $0xFFFFCE00  }
0x212: {  	[spmem:s2] =	stream.indirect.scatter.add.f32 [tilespmem:s14], [sflag:$0x5], $0x80, s29, s12, $0xb8;
	[tilespmem:$0x1F400] =	vst v63  }
0x213: {  	_ =	swait.ge [sflag:s18], $0x3200  }
0x214: {  	[sflag:s18] =	ssyncset.done $0x0  }
0x215: {  	[sflag:s18] =	ssyncadd.s32 $0xFFFFCE00  }
0x216: {  	[tilespmem:s13], [sflag:$0x1] =	stream.indirect.gather [hbm4b:s4+s12], $0x80, s30, s12, $0xb8;
	[tilespmem:$0x1F400] =	vst v63  }
0x217: {  	_ =	swait.ge [sflag:s19], $0x3200  }
0x218: {  	[sflag:s19] =	ssyncset.done $0x0  }
0x219: {  	[sflag:s19] =	ssyncadd.s32 $0xFFFFCE00  }
0x21a: {  	[spmem:s2] =	stream.indirect.scatter.add.f32 [tilespmem:s16], [sflag:$0x6], $0x80, s31, s12, $0xb8;
	[tilespmem:$0x1F400] =	vst v63  }
0x21b: {  	_ =	swait.ge [sflag:s20], $0x3200  }
0x21c: {  	[sflag:s20] =	ssyncset.done $0x0  }
0x21d: {  	[sflag:s20] =	ssyncadd.s32 $0xFFFFCE00  }
0x21e: {  	[tilespmem:s14], [sflag:$0x2] =	stream.indirect.gather [hbm4b:s4+s12], $0x80, s1, s12, $0xb8;
	[tilespmem:$0x1F400] =	vst v63  }
0x21f: {  	_ =	swait.ge [sflag:s15], $0x3200  }
0x220: {  	[sflag:s15] =	ssyncset.done $0x0  }
0x221: {  	[sflag:s15] =	ssyncadd.s32 $0xFFFFCE00  }
0x222: {  	[spmem:s2] =	stream.indirect.scatter.add.f32 [tilespmem:s13], [sflag:$0x4], $0x80, s0, s12, $0xb8;
	[tilespmem:$0x1F400] =	vst v63  }
0x223: {  	_ =	swait.ge [sflag:s21], $0x3200  }
0x224: {  	[sflag:s21] =	ssyncset.done $0x0  }
0x225: {  	[sflag:s21] =	ssyncadd.s32 $0xFFFFCE00  }
0x226: {  	_ =	swait.ge [sflag:s17], $0x3200  }
0x227: {  	[sflag:s17] =	ssyncset.done $0x0  }
0x228: {  	[sflag:s17] =	ssyncadd.s32 $0xFFFFCE00  }
0x229: {  	[spmem:s2] =	stream.indirect.scatter.add.f32 [tilespmem:s14], [sflag:$0x5], $0x80, s5, s12, $0xb8;
	[tilespmem:$0x1F400] =	vst v63  }
0x22a: {  	_ =	swait.ge [sflag:s18], $0x3200  }
0x22b: {  	[sflag:s18] =	ssyncset.done $0x0  }
0x22c: {  	[sflag:s18] =	ssyncadd.s32 $0xFFFFCE00  }
0x22d: {  	_ =	swait.ge [sflag:s20], $0x3200  }
0x22e: {  	[sflag:s20] =	ssyncset.done $0x0  }
0x22f: {  	[sflag:s20] =	ssyncadd.s32 $0xFFFFCE00  }
0x230: {  	[bflag:$0x0] =	sbarrier.arrive $0xFFFF  }
0x231: {  	s7 =	sld [smem:$0x7FC]  }
0x232: {  	s9 =	sld [smem:$0x7FA]  }
0x233: {  	s8 =	sld [smem:$0x7FD];
	_ =	sdelay $0x2  }
0x234: {  	[hbm:s9], [sflag:s7] =	dma.local [spmem:s8], $0x2800  }
0x235: {  	_ =	swait.ge [sflag:s10], $0x2800  }
0x236: {  	s6 =	sld [smem:$0x7F8];
	_ =	sdelay $0x2  }
0x237: {  	s9 =	sadd.s32 $0x1, s6;
	s6 =	sld [smem:$0x7FB];
	_ =	sdelay $0x2  }
0x238: {  	p0 =	sne.s32 s9, s6  }
.Ltmp1:
0x239: {  	_ = 	snop;
	(pc) =	sbr.rel @p0 .LBB2_1-.Ltmp1, $3  }
0x23a: {  	_ =	sdelay $0x1  }
0x23b: {  	[sflag:s10] =	ssyncset.done $0x0  }
0x23c: {  	[sflag:s10] =	ssyncadd.s32 $0xFFFFD800  }
0x23d: {  	_ =	sfence.sel $0x180000  }
0x23e: {  	[bflag:$0x0] =	sbarrier.arrive $0xFFFF  }
0x23f: {  	_ =	strace $0x9000004A  }
0x240: {  	s0 =	stileid.u32;
	[bflag:$0x2] =	sbarrier.arrive $0xFFFF  }
0x241: {  	p0 =	sne.s32 s0, $0x0;
	s0 =	rddreg [dreg:$0x3]  }
0x242: {  	s0 =	sadd.s32 @!p0 $0x100000, s0  }
0x243: {  	[sflag:s0] =	ssyncadd.tile.s32 @!p0 $0x1;
	_ =	shalt  }
.Lfunc_end2:
_tile_overlayer_lowered:
.L_overlay_start_2:
0x244: {  	(tag) =	ssettag $0x2  }
0x245: {  	s0 =	rddreg [dreg:$0x0];
	s2 =	stileid.u32  }
0x246: {  	s1 =	rddreg [dreg:$0x1];
	p0 =	sne.s32 s2, $0x0  }
0x247: {  	s3 =	rddreg [dreg:$0x2];
	[bflag:$0x3] =	sbarrier.arrive $0xFFFF;
	s2 =	simm.s32 @!p0 $0x1C07  }
0x248: {  	[timem:s3], [sflag:s2] =	dma.local @!p0 [hbm:s0], s1  }
0x249: {  	s0 =	simm.s32 @!p0 $0x7  }
0x24a: {  	_ =	swait.ge @!p0 [sflag:s0], s1  }
0x24b: {  	s1 =	ssub.s32 @!p0 $0x0, s1;
	[sflag:s0] =	ssyncset.done @!p0 $0x0  }
0x24c: {  	[sflag:s0] =	ssyncadd.s32 @!p0 s1  }
0x24d: {  	[bflag:$0x3] =	sbarrier.arrive $0xFFFF  }
0x24e: {  	_ =	shalt  }

</sc_bundles>
